<compile_context>
chip_gen: v7x
topology: tpu7x:2x2x1
jax: 0.10.2.dev20260603
libtpu: 0.0.44.dev20260713+nightly
codegen_flags: <defaults>
</compile_context>

<pallas_src>
import jax
import jax.numpy as jnp
from jax import lax
from jax.experimental import pallas as pl
from jax.experimental.pallas import tpu as pltpu
from jax.experimental.pallas import tpu_sc as plsc

_N = 10000
_E = 320000
_F = 128
_H = _F // 2
_R = 8

_NC = 2
_NS = 16
_EPT = _E // _NS
_NPH = 2
_EPH = _EPT // _NPH
_GCH = 400
_NG = _EPH // _GCH
_SCH = 100
_NSUB = _GCH // _SCH
_NP = 10240
_RPT = _NP // _NS


def _mm_body(x_ref, w_ref, o_ref):
    o_ref[...] = jnp.dot(x_ref[...], w_ref[0],
                         preferred_element_type=jnp.float32)


def _rel_transform(x, weight):
    return pl.pallas_call(
        _mm_body,
        grid=(_R,),
        in_specs=[
            pl.BlockSpec((_N, _F), lambda r: (0, 0)),
            pl.BlockSpec((1, _F, _F), lambda r: (r, 0, 0)),
        ],
        out_specs=pl.BlockSpec((_N, _F), lambda r: (r, 0)),
        out_shape=jax.ShapeDtypeStruct((_R * _N, _F), jnp.float32),
    )(x, weight)


def _gi_body(et_ref, ei_ref, gi_ref, dst_ref):
    blk = _E // _F
    g = (et_ref[0] * _N + ei_ref[0]) * 2
    g2 = g.reshape(blk, _F)
    gi_ref[0] = g2
    gi_ref[1] = g2 + 1
    dst_ref[...] = ei_ref[1].reshape(blk, _F)


def _gather_indices(et_row, edge_index):
    rows = _E // _F
    return pl.pallas_call(
        _gi_body,
        grid=(1,),
        in_specs=[
            pl.BlockSpec((1, _E), lambda i: (0, 0)),
            pl.BlockSpec((2, _E), lambda i: (0, 0)),
        ],
        out_specs=[
            pl.BlockSpec((2, rows, _F), lambda i: (0, 0, 0)),
            pl.BlockSpec((rows, _F), lambda i: (0, 0)),
        ],
        out_shape=[
            jax.ShapeDtypeStruct((2, rows, _F), jnp.int32),
            jax.ShapeDtypeStruct((rows, _F), jnp.int32),
        ],
    )(et_row, edge_index)


def _sc_body(xr_hbm, gi_hbm, dst_hbm, zeros_hbm, out_hbm,
             gi_v, dst_v, rows0_v, rows1_v, agg_s, gsem0, gsem1):
    c = lax.axis_index("c")
    s = lax.axis_index("s")

    rows = pl.ds(s * _RPT, _RPT)
    pltpu.sync_copy(zeros_hbm.at[rows], agg_s.at[rows])

    plsc.subcore_barrier()

    bufs = (rows0_v, rows1_v)
    gsems = (gsem0, gsem1)

    def _gather_start(m, b):
        pltpu.async_copy(xr_hbm.at[gi_v.at[pl.ds(m * _GCH, _GCH)]],
                         bufs[b], gsems[b])

    def _gather_wait(b):
        pltpu.make_async_copy(xr_hbm.at[gi_v.at[pl.ds(0, _GCH)]],
                              bufs[b], gsems[b]).wait()

    for ph in range(_NPH):
        pltpu.sync_copy(gi_hbm.at[c, s, pl.ds(ph * _EPH, _EPH)], gi_v)
        pltpu.sync_copy(dst_hbm.at[s, ph], dst_v)

        _gather_start(0, 0)

        def _pair(t, carry):
            for b in range(2):
                m = t * 2 + b
                _gather_wait(b)
                nxt = m + 1

                @pl.when(nxt < _NG)
                def _():
                    _gather_start(nxt, (b + 1) % 2)

                for k in range(_NSUB):
                    pltpu.sync_copy(
                        bufs[b].at[pl.ds(k * _SCH, _SCH)],
                        agg_s.at[dst_v.at[m * _NSUB + k]], add=True)
            return carry
        lax.fori_loop(0, _NG // 2, _pair, 0)

        if _NG % 2:
            m = _NG - 1
            _gather_wait(0)
            for k in range(_NSUB):
                pltpu.sync_copy(
                    bufs[0].at[pl.ds(k * _SCH, _SCH)],
                    agg_s.at[dst_v.at[m * _NSUB + k]], add=True)

    plsc.subcore_barrier()

    pltpu.sync_copy(agg_s.at[rows], out_hbm.at[c, rows])


_sc_scatter = pl.kernel(
    _sc_body,
    out_type=jax.ShapeDtypeStruct((_NC, _NP, _H), jnp.float32),
    mesh=plsc.VectorSubcoreMesh(core_axis_name="c", subcore_axis_name="s",
                                num_cores=_NC, num_subcores=_NS),
    scratch_types=[
        pltpu.VMEM((_EPH,), jnp.int32),
        pltpu.VMEM((_EPH // _SCH, _SCH), jnp.int32),
        pltpu.VMEM((_GCH, _H), jnp.float32),
        pltpu.VMEM((_GCH, _H), jnp.float32),
        pltpu.VMEM_SHARED((_NP, _H), jnp.float32),
        pltpu.SemaphoreType.DMA,
        pltpu.SemaphoreType.DMA,
    ],
    compiler_params=pltpu.CompilerParams(use_tc_tiling_on_sc=False),
)


def _ep_body(p_ref, b_ref, o_ref):
    full = jnp.concatenate([p_ref[0], p_ref[1]], axis=1)
    bias = jnp.concatenate([b_ref[0], b_ref[1]], axis=1)
    o_ref[...] = full + bias


def _epilogue(parts, bias2d):
    bn = 2000
    return pl.pallas_call(
        _ep_body,
        grid=(_N // bn,),
        in_specs=[
            pl.BlockSpec((_NC, bn, _H), lambda i: (0, i, 0)),
            pl.BlockSpec((_NC, 1, _H), lambda i: (0, 0, 0)),
        ],
        out_specs=pl.BlockSpec((bn, _F), lambda i: (i, 0)),
        out_shape=jax.ShapeDtypeStruct((_N, _F), jnp.float32),
    )(parts, bias2d)


def kernel(x, edge_index, edge_type, weight, h_bias):
    xr = _rel_transform(x, weight).reshape(_NC * _R * _N, _H)
    gi2d, dst2d = _gather_indices(edge_type.reshape(1, _E), edge_index)
    gi = gi2d.reshape(_NC, _NS, _EPT)
    dst = dst2d.reshape(_NS, _NPH, _EPH // _SCH, _SCH)
    zeros = jnp.zeros((_NP, _H), jnp.float32)
    parts = _sc_scatter(xr, gi, dst, zeros)
    return _epilogue(parts, h_bias.reshape(_NC, 1, _H))

# --- scband reference (transcript-rebuilt; emitter-appended) ---
"""Pipeline reference for scband-heter-rel-graph-conv-21809843929179 (READ-ONLY COPY).

The authoritative reference and input builder live on the scoring server;
editing this copy changes nothing except your own understanding.
"""

import jax, jax.numpy as jnp
import numpy as np

N = 10000      # num nodes
E = 320000     # num edges
IN = 128       # in_feat
OUT = 128      # out_feat
R = 8          # num_rels (num_bases == num_rels, so no basis composition)


def _xavier_uniform(key, shape, gain):
    # Match torch nn.init.xavier_uniform_ for a 3D tensor (R, IN, OUT):
    # fan_in = size(1) * receptive_field = IN * OUT, fan_out = size(0) * receptive = R * OUT
    fan_in = shape[1] * shape[2]
    fan_out = shape[0] * shape[2]
    bound = gain * np.sqrt(6.0 / (fan_in + fan_out))
    return jax.random.uniform(key, shape, dtype=jnp.float32, minval=-bound, maxval=bound)


def setup_inputs(seed: int = 0) -> dict:
    key = jax.random.key(seed)
    k1, k2, k3, k4 = jax.random.split(key, 4)
    x = jax.random.normal(k1, (N, IN), dtype=jnp.float32)
    edge_index = jax.random.randint(k2, (2, E), 0, N, dtype=jnp.int32)
    edge_type = jax.random.randint(k3, (E,), 0, R, dtype=jnp.int32)
    gain = np.sqrt(2.0)  # calculate_gain('relu')
    weight = _xavier_uniform(k4, (R, IN, OUT), gain)  # basis weights, num_bases == num_rels
    h_bias = jnp.zeros((OUT,), dtype=jnp.float32)
    return {"x": x, "edge_index": edge_index, "edge_type": edge_type,
            "weight": weight, "h_bias": h_bias}


def reference(x, edge_index, edge_type, weight, h_bias):
    # basis_message_func with num_bases == num_rels: per-edge msg = x[src] @ weight[edge_type]
    # Equivalent, gather-friendly form: precompute per-relation node transforms,
    # then gather msg = (x @ W_r)[src] for each edge's relation r, and sum-aggregate to dst
    # (fn.sum over each etype in DGL == segment_sum over all typed edges here).
    xr = jnp.einsum('ni,rio->rno', x, weight)          # [R, N, OUT]
    src = edge_index[0]
    dst = edge_index[1]
    msg = xr[edge_type, src]                            # gather [E, OUT]
    agg = jax.ops.segment_sum(msg, dst, num_segments=N) # scatter-add [N, OUT]
    node_repr = agg + h_bias                            # bias=True
    # self_loop=False, activation=None, dropout=0.0 (identity in eval)
    return node_repr

if __name__ == "__main__":
    import jax
    _d = setup_inputs()
    print(jax.jit(kernel)(*tuple(_d.values())))

</pallas_src>

<mosaic_0001>
#map = affine_map<(d0, d1) -> (0, 0)>
#map1 = affine_map<(d0, d1) -> (0, 0, 0)>
#map2 = affine_map<(d0, d1) -> (0, 0, 0, 0)>
module attributes {stable_mosaic.version = 14 : i64} {
  func.func @_sc_body(%arg0: i32, %arg1: i32, %arg2: memref<160000x64xf32, #tpu.memory_space<hbm>>, %arg3: memref<2x16x20000xi32, #tpu.memory_space<hbm>>, %arg4: memref<16x2x100x100xi32, #tpu.memory_space<hbm>>, %arg5: memref<10240x64xf32, #tpu.memory_space<hbm>>, %arg6: memref<2x10240x64xf32, #tpu.memory_space<hbm>>, %arg7: memref<10000xi32, #tpu.memory_space<vmem>>, %arg8: memref<100x100xi32, #tpu.memory_space<vmem>>, %arg9: memref<400x64xf32, #tpu.memory_space<vmem>>, %arg10: memref<400x64xf32, #tpu.memory_space<vmem>>, %arg11: memref<10240x64xf32, #tpu.memory_space<vmem_shared>>, %arg12: memref<!tpu.dma_semaphore, #tpu.memory_space<semaphore_mem>>, %arg13: memref<!tpu.dma_semaphore, #tpu.memory_space<semaphore_mem>>) attributes {dimension_semantics = [#tpu.dimension_semantics<core_parallel>, #tpu.dimension_semantics<subcore_parallel>], iteration_bounds = array<i64: 2, 16>, scalar_prefetch = 0 : i64, scratch_operands = 7 : i64, tpu.core_type = #tpu.core_type<sc_vector_subcore>, window_params = [{transform_indices = #map}, {transform_indices = #map1}, {transform_indices = #map2}, {transform_indices = #map}, {transform_indices = #map1}]} {
    %mul3A = arith.constant 640 : i32
    %mul3A_0 = arith.muli %arg1, %mul3A : i32
    "tpu.region"() ({
      %run_scoped3A_40 = tpu.sem_alloc : memref<!tpu.dma_semaphore, #tpu.memory_space<semaphore_mem>>
      %dma_start3A_41 = arith.constant 0 : i32
      %dma_start3A_42 = tpu.memref_slice %arg11[%mul3A_0, %dma_start3A_41] : memref<10240x64xf32, #tpu.memory_space<vmem_shared>> -> memref<640x64xf32, #tpu.memory_space<vmem_shared>>
      %dma_start3A_43 = arith.constant 0 : i32
      %dma_start3A_44 = tpu.memref_slice %arg5[%mul3A_0, %dma_start3A_43] : memref<10240x64xf32, #tpu.memory_space<hbm>> -> memref<640x64xf32, #tpu.memory_space<hbm>>
      tpu.enqueue_dma source(%dma_start3A_44 : memref<640x64xf32, #tpu.memory_space<hbm>>) target(%dma_start3A_42 : memref<640x64xf32, #tpu.memory_space<vmem_shared>>) target_semaphore(%run_scoped3A_40 : memref<!tpu.dma_semaphore, #tpu.memory_space<semaphore_mem>>)
      %dma_wait3A_45 = arith.constant 0 : i32
      %dma_wait3A_46 = tpu.memref_slice %arg11[%mul3A_0, %dma_wait3A_45] : memref<10240x64xf32, #tpu.memory_space<vmem_shared>> -> memref<640x64xf32, #tpu.memory_space<vmem_shared>>
      %dma_wait3A_47 = arith.constant 0 : i32
      %dma_wait3A_48 = tpu.memref_slice %arg5[%mul3A_0, %dma_wait3A_47] : memref<10240x64xf32, #tpu.memory_space<hbm>> -> memref<640x64xf32, #tpu.memory_space<hbm>>
      tpu.wait_dma2 semaphore(%run_scoped3A_40 : memref<!tpu.dma_semaphore, #tpu.memory_space<semaphore_mem>>) src(%dma_wait3A_48 : memref<640x64xf32, #tpu.memory_space<hbm>>) dst(%dma_wait3A_46 : memref<640x64xf32, #tpu.memory_space<vmem_shared>>)
      tpu.yield
    }) : () -> ()
    %barrier3A = arith.constant 0 : index
    tpu.barrier barrier_id(%barrier3A)
    "tpu.region"() ({
      %run_scoped3A_40 = tpu.sem_alloc : memref<!tpu.dma_semaphore, #tpu.memory_space<semaphore_mem>>
      %dma_start3A_41 = arith.constant 0 : i32
      %dma_start3A_42 = tpu.memref_slice %arg3[%arg0, %arg1, %dma_start3A_41] : memref<2x16x20000xi32, #tpu.memory_space<hbm>> -> memref<1x1x10000xi32, #tpu.memory_space<hbm>>
      %dma_start3A_43 = tpu.memref_squeeze %dma_start3A_42 : memref<1x1x10000xi32, #tpu.memory_space<hbm>> -> memref<10000xi32, #tpu.memory_space<hbm>>
      %dma_start3A_44 = arith.constant 0 : i32
      %dma_start3A_45 = tpu.memref_slice %arg3[%arg0, %arg1, %dma_start3A_44] : memref<2x16x20000xi32, #tpu.memory_space<hbm>> -> memref<1x1x10000xi32, #tpu.memory_space<hbm>>
      %dma_start3A_46 = tpu.memref_squeeze %dma_start3A_45 : memref<1x1x10000xi32, #tpu.memory_space<hbm>> -> memref<10000xi32, #tpu.memory_space<hbm>>
      tpu.enqueue_dma source(%dma_start3A_46 : memref<10000xi32, #tpu.memory_space<hbm>>) target(%arg7 : memref<10000xi32, #tpu.memory_space<vmem>>) target_semaphore(%run_scoped3A_40 : memref<!tpu.dma_semaphore, #tpu.memory_space<semaphore_mem>>)
      %dma_wait3A_47 = arith.constant 0 : i32
      %dma_wait3A_48 = tpu.memref_slice %arg3[%arg0, %arg1, %dma_wait3A_47] : memref<2x16x20000xi32, #tpu.memory_space<hbm>> -> memref<1x1x10000xi32, #tpu.memory_space<hbm>>
      %dma_wait3A_49 = tpu.memref_squeeze %dma_wait3A_48 : memref<1x1x10000xi32, #tpu.memory_space<hbm>> -> memref<10000xi32, #tpu.memory_space<hbm>>
      %dma_wait3A_50 = arith.constant 0 : i32
      %dma_wait3A_51 = tpu.memref_slice %arg3[%arg0, %arg1, %dma_wait3A_50] : memref<2x16x20000xi32, #tpu.memory_space<hbm>> -> memref<1x1x10000xi32, #tpu.memory_space<hbm>>
      %dma_wait3A_52 = tpu.memref_squeeze %dma_wait3A_51 : memref<1x1x10000xi32, #tpu.memory_space<hbm>> -> memref<10000xi32, #tpu.memory_space<hbm>>
      tpu.wait_dma2 semaphore(%run_scoped3A_40 : memref<!tpu.dma_semaphore, #tpu.memory_space<semaphore_mem>>) src(%dma_wait3A_52 : memref<10000xi32, #tpu.memory_space<hbm>>) dst(%arg7 : memref<10000xi32, #tpu.memory_space<vmem>>)
      tpu.yield
    }) : () -> ()
    %run_scoped3A = arith.constant 0 : i32
    "tpu.region"() ({
      %run_scoped3A_40 = tpu.sem_alloc : memref<!tpu.dma_semaphore, #tpu.memory_space<semaphore_mem>>
      %dma_start3A_41 = arith.constant 0 : i32
      %dma_start3A_42 = arith.constant 0 : i32
      %dma_start3A_43 = tpu.memref_slice %arg4[%arg1, %run_scoped3A, %dma_start3A_41, %dma_start3A_42] : memref<16x2x100x100xi32, #tpu.memory_space<hbm>> -> memref<1x1x100x100xi32, #tpu.memory_space<hbm>>
      %dma_start3A_44 = tpu.memref_squeeze %dma_start3A_43 : memref<1x1x100x100xi32, #tpu.memory_space<hbm>> -> memref<100x100xi32, #tpu.memory_space<hbm>>
      %dma_start3A_45 = arith.constant 0 : i32
      %dma_start3A_46 = arith.constant 0 : i32
      %dma_start3A_47 = tpu.memref_slice %arg4[%arg1, %run_scoped3A, %dma_start3A_45, %dma_start3A_46] : memref<16x2x100x100xi32, #tpu.memory_space<hbm>> -> memref<1x1x100x100xi32, #tpu.memory_space<hbm>>
      %dma_start3A_48 = tpu.memref_squeeze %dma_start3A_47 : memref<1x1x100x100xi32, #tpu.memory_space<hbm>> -> memref<100x100xi32, #tpu.memory_space<hbm>>
      tpu.enqueue_dma source(%dma_start3A_48 : memref<100x100xi32, #tpu.memory_space<hbm>>) target(%arg8 : memref<100x100xi32, #tpu.memory_space<vmem>>) target_semaphore(%run_scoped3A_40 : memref<!tpu.dma_semaphore, #tpu.memory_space<semaphore_mem>>)
      %dma_wait3A_49 = arith.constant 0 : i32
      %dma_wait3A_50 = arith.constant 0 : i32
      %dma_wait3A_51 = tpu.memref_slice %arg4[%arg1, %run_scoped3A, %dma_wait3A_49, %dma_wait3A_50] : memref<16x2x100x100xi32, #tpu.memory_space<hbm>> -> memref<1x1x100x100xi32, #tpu.memory_space<hbm>>
      %dma_wait3A_52 = tpu.memref_squeeze %dma_wait3A_51 : memref<1x1x100x100xi32, #tpu.memory_space<hbm>> -> memref<100x100xi32, #tpu.memory_space<hbm>>
      %dma_wait3A_53 = arith.constant 0 : i32
      %dma_wait3A_54 = arith.constant 0 : i32
      %dma_wait3A_55 = tpu.memref_slice %arg4[%arg1, %run_scoped3A, %dma_wait3A_53, %dma_wait3A_54] : memref<16x2x100x100xi32, #tpu.memory_space<hbm>> -> memref<1x1x100x100xi32, #tpu.memory_space<hbm>>
      %dma_wait3A_56 = tpu.memref_squeeze %dma_wait3A_55 : memref<1x1x100x100xi32, #tpu.memory_space<hbm>> -> memref<100x100xi32, #tpu.memory_space<hbm>>
      tpu.wait_dma2 semaphore(%run_scoped3A_40 : memref<!tpu.dma_semaphore, #tpu.memory_space<semaphore_mem>>) src(%dma_wait3A_56 : memref<100x100xi32, #tpu.memory_space<hbm>>) dst(%arg8 : memref<100x100xi32, #tpu.memory_space<vmem>>)
      tpu.yield
    }) : () -> ()
    %dma_start3A = arith.constant 0 : i32
    %dma_start3A_1 = tpu.memref_slice %arg7[%dma_start3A] : memref<10000xi32, #tpu.memory_space<vmem>> -> memref<400xi32, #tpu.memory_space<vmem>>
    %dma_start3A_2 = arith.constant 0 : i32
    %dma_start3A_3 = arith.constant 0 : i32
    %dma_start3A_4 = tpu.memref_slice %arg2[%dma_start3A_2, %dma_start3A_3] : memref<160000x64xf32, #tpu.memory_space<hbm>> -> memref<160000x64xf32, #tpu.memory_space<hbm>>
    tpu.enqueue_indirect_dma source(%dma_start3A_4 : memref<160000x64xf32, #tpu.memory_space<hbm>>) target(%arg9 : memref<400x64xf32, #tpu.memory_space<vmem>>) offsets(%dma_start3A_1 : memref<400xi32, #tpu.memory_space<vmem>>) semaphore(%arg12 : memref<!tpu.dma_semaphore, #tpu.memory_space<semaphore_mem>>)
    %scan3A = arith.constant 0 : i32
    %scan3A_5 = arith.constant 0 : i32
    %scan3A_6 = arith.constant 12 : i32
    %scan3A_7 = arith.addi %scan3A_5, %scan3A_6 : i32
    %scan3A_8 = arith.constant 1 : i32
    scf.for %scan3A_40 = %scan3A_5 to %scan3A_7 step %scan3A_8  : i32 {
      %mul3A_41 = arith.constant 2 : i32
      %mul3A_42 = arith.muli %scan3A_40, %mul3A_41 : i32
      %add3A = arith.constant 0 : i32
      %add3A_43 = arith.addi %mul3A_42, %add3A : i32
      %dma_wait3A_44 = arith.constant 0 : i32
      %dma_wait3A_45 = tpu.memref_slice %arg7[%dma_wait3A_44] : memref<10000xi32, #tpu.memory_space<vmem>> -> memref<400xi32, #tpu.memory_space<vmem>>
      %dma_wait3A_46 = arith.constant 0 : i32
      %dma_wait3A_47 = arith.constant 0 : i32
      %dma_wait3A_48 = tpu.memref_slice %arg2[%dma_wait3A_46, %dma_wait3A_47] : memref<160000x64xf32, #tpu.memory_space<hbm>> -> memref<160000x64xf32, #tpu.memory_space<hbm>>
      tpu.wait_indirect_dma semaphore(%arg12 : memref<!tpu.dma_semaphore, #tpu.memory_space<semaphore_mem>>) src(%dma_wait3A_48 : memref<160000x64xf32, #tpu.memory_space<hbm>>) dst(%arg9 : memref<400x64xf32, #tpu.memory_space<vmem>>)
      %add3A_49 = arith.constant 1 : i32
      %add3A_50 = arith.addi %add3A_43, %add3A_49 : i32
      %lt3A = arith.constant 25 : i32
      %lt3A_51 = arith.cmpi slt, %add3A_50, %lt3A : i32
      %convert_element_type3A = arith.extui %lt3A_51 : i1 to i32
      %cond3A = arith.constant 0 : i32
      %cond3A_52 = arith.cmpi ne, %convert_element_type3A, %cond3A : i32
      scf.if %cond3A_52 {
        %mul3A_101 = arith.constant 400 : i32
        %mul3A_102 = arith.muli %add3A_50, %mul3A_101 : i32
        %dma_start3A_103 = tpu.memref_slice %arg7[%mul3A_102] : memref<10000xi32, #tpu.memory_space<vmem>> -> memref<400xi32, #tpu.memory_space<vmem>>
        %dma_start3A_104 = arith.constant 0 : i32
        %dma_start3A_105 = arith.constant 0 : i32
        %dma_start3A_106 = tpu.memref_slice %arg2[%dma_start3A_104, %dma_start3A_105] : memref<160000x64xf32, #tpu.memory_space<hbm>> -> memref<160000x64xf32, #tpu.memory_space<hbm>>
        tpu.enqueue_indirect_dma source(%dma_start3A_106 : memref<160000x64xf32, #tpu.memory_space<hbm>>) target(%arg10 : memref<400x64xf32, #tpu.memory_space<vmem>>) offsets(%dma_start3A_103 : memref<400xi32, #tpu.memory_space<vmem>>) semaphore(%arg13 : memref<!tpu.dma_semaphore, #tpu.memory_space<semaphore_mem>>)
      } else {
      }
      %mul3A_53 = arith.constant 4 : i32
      %mul3A_54 = arith.muli %add3A_43, %mul3A_53 : i32
      %add3A_55 = arith.constant 0 : i32
      %add3A_56 = arith.addi %mul3A_54, %add3A_55 : i32
      "tpu.region"() ({
        %run_scoped3A_101 = tpu.sem_alloc : memref<!tpu.dma_semaphore, #tpu.memory_space<semaphore_mem>>
        %dma_start3A_102 = arith.constant 0 : i32
        %dma_start3A_103 = arith.constant 0 : i32
        %dma_start3A_104 = tpu.memref_slice %arg9[%dma_start3A_102, %dma_start3A_103] : memref<400x64xf32, #tpu.memory_space<vmem>> -> memref<100x64xf32, #tpu.memory_space<vmem>>
        %dma_start3A_105 = arith.constant 0 : i32
        %dma_start3A_106 = tpu.memref_slice %arg8[%add3A_56, %dma_start3A_105] : memref<100x100xi32, #tpu.memory_space<vmem>> -> memref<1x100xi32, #tpu.memory_space<vmem>>
        %dma_start3A_107 = tpu.memref_squeeze %dma_start3A_106 : memref<1x100xi32, #tpu.memory_space<vmem>> -> memref<100xi32, #tpu.memory_space<vmem>>
        %dma_start3A_108 = arith.constant 0 : i32
        %dma_start3A_109 = arith.constant 0 : i32
        %dma_start3A_110 = tpu.memref_slice %arg11[%dma_start3A_108, %dma_start3A_109] : memref<10240x64xf32, #tpu.memory_space<vmem_shared>> -> memref<10240x64xf32, #tpu.memory_space<vmem_shared>>
        tpu.enqueue_indirect_dma source(%dma_start3A_104 : memref<100x64xf32, #tpu.memory_space<vmem>>) target(%dma_start3A_110 : memref<10240x64xf32, #tpu.memory_space<vmem_shared>>) offsets(%dma_start3A_107 : memref<100xi32, #tpu.memory_space<vmem>>) semaphore(%run_scoped3A_101 : memref<!tpu.dma_semaphore, #tpu.memory_space<semaphore_mem>>) {add = true}
        %dma_wait3A_111 = arith.constant 0 : i32
        %dma_wait3A_112 = arith.constant 0 : i32
        %dma_wait3A_113 = tpu.memref_slice %arg9[%dma_wait3A_111, %dma_wait3A_112] : memref<400x64xf32, #tpu.memory_space<vmem>> -> memref<100x64xf32, #tpu.memory_space<vmem>>
        %dma_wait3A_114 = arith.constant 0 : i32
        %dma_wait3A_115 = tpu.memref_slice %arg8[%add3A_56, %dma_wait3A_114] : memref<100x100xi32, #tpu.memory_space<vmem>> -> memref<1x100xi32, #tpu.memory_space<vmem>>
        %dma_wait3A_116 = tpu.memref_squeeze %dma_wait3A_115 : memref<1x100xi32, #tpu.memory_space<vmem>> -> memref<100xi32, #tpu.memory_space<vmem>>
        %dma_wait3A_117 = arith.constant 0 : i32
        %dma_wait3A_118 = arith.constant 0 : i32
        %dma_wait3A_119 = tpu.memref_slice %arg11[%dma_wait3A_117, %dma_wait3A_118] : memref<10240x64xf32, #tpu.memory_space<vmem_shared>> -> memref<10240x64xf32, #tpu.memory_space<vmem_shared>>
        tpu.wait_indirect_dma semaphore(%run_scoped3A_101 : memref<!tpu.dma_semaphore, #tpu.memory_space<semaphore_mem>>) src(%dma_wait3A_113 : memref<100x64xf32, #tpu.memory_space<vmem>>) dst(%dma_wait3A_119 : memref<10240x64xf32, #tpu.memory_space<vmem_shared>>)
        tpu.yield
      }) : () -> ()
      %mul3A_57 = arith.constant 4 : i32
      %mul3A_58 = arith.muli %add3A_43, %mul3A_57 : i32
      %add3A_59 = arith.constant 1 : i32
      %add3A_60 = arith.addi %mul3A_58, %add3A_59 : i32
      "tpu.region"() ({
        %run_scoped3A_101 = tpu.sem_alloc : memref<!tpu.dma_semaphore, #tpu.memory_space<semaphore_mem>>
        %dma_start3A_102 = arith.constant 100 : i32
        %dma_start3A_103 = arith.constant 0 : i32
        %dma_start3A_104 = tpu.memref_slice %arg9[%dma_start3A_102, %dma_start3A_103] : memref<400x64xf32, #tpu.memory_space<vmem>> -> memref<100x64xf32, #tpu.memory_space<vmem>>
        %dma_start3A_105 = arith.constant 0 : i32
        %dma_start3A_106 = tpu.memref_slice %arg8[%add3A_60, %dma_start3A_105] : memref<100x100xi32, #tpu.memory_space<vmem>> -> memref<1x100xi32, #tpu.memory_space<vmem>>
        %dma_start3A_107 = tpu.memref_squeeze %dma_start3A_106 : memref<1x100xi32, #tpu.memory_space<vmem>> -> memref<100xi32, #tpu.memory_space<vmem>>
        %dma_start3A_108 = arith.constant 0 : i32
        %dma_start3A_109 = arith.constant 0 : i32
        %dma_start3A_110 = tpu.memref_slice %arg11[%dma_start3A_108, %dma_start3A_109] : memref<10240x64xf32, #tpu.memory_space<vmem_shared>> -> memref<10240x64xf32, #tpu.memory_space<vmem_shared>>
        tpu.enqueue_indirect_dma source(%dma_start3A_104 : memref<100x64xf32, #tpu.memory_space<vmem>>) target(%dma_start3A_110 : memref<10240x64xf32, #tpu.memory_space<vmem_shared>>) offsets(%dma_start3A_107 : memref<100xi32, #tpu.memory_space<vmem>>) semaphore(%run_scoped3A_101 : memref<!tpu.dma_semaphore, #tpu.memory_space<semaphore_mem>>) {add = true}
        %dma_wait3A_111 = arith.constant 100 : i32
        %dma_wait3A_112 = arith.constant 0 : i32
        %dma_wait3A_113 = tpu.memref_slice %arg9[%dma_wait3A_111, %dma_wait3A_112] : memref<400x64xf32, #tpu.memory_space<vmem>> -> memref<100x64xf32, #tpu.memory_space<vmem>>
        %dma_wait3A_114 = arith.constant 0 : i32
        %dma_wait3A_115 = tpu.memref_slice %arg8[%add3A_60, %dma_wait3A_114] : memref<100x100xi32, #tpu.memory_space<vmem>> -> memref<1x100xi32, #tpu.memory_space<vmem>>
        %dma_wait3A_116 = tpu.memref_squeeze %dma_wait3A_115 : memref<1x100xi32, #tpu.memory_space<vmem>> -> memref<100xi32, #tpu.memory_space<vmem>>
        %dma_wait3A_117 = arith.constant 0 : i32
        %dma_wait3A_118 = arith.constant 0 : i32
        %dma_wait3A_119 = tpu.memref_slice %arg11[%dma_wait3A_117, %dma_wait3A_118] : memref<10240x64xf32, #tpu.memory_space<vmem_shared>> -> memref<10240x64xf32, #tpu.memory_space<vmem_shared>>
        tpu.wait_indirect_dma semaphore(%run_scoped3A_101 : memref<!tpu.dma_semaphore, #tpu.memory_space<semaphore_mem>>) src(%dma_wait3A_113 : memref<100x64xf32, #tpu.memory_space<vmem>>) dst(%dma_wait3A_119 : memref<10240x64xf32, #tpu.memory_space<vmem_shared>>)
        tpu.yield
      }) : () -> ()
      %mul3A_61 = arith.constant 4 : i32
      %mul3A_62 = arith.muli %add3A_43, %mul3A_61 : i32
      %add3A_63 = arith.constant 2 : i32
      %add3A_64 = arith.addi %mul3A_62, %add3A_63 : i32
      "tpu.region"() ({
        %run_scoped3A_101 = tpu.sem_alloc : memref<!tpu.dma_semaphore, #tpu.memory_space<semaphore_mem>>
        %dma_start3A_102 = arith.constant 200 : i32
        %dma_start3A_103 = arith.constant 0 : i32
        %dma_start3A_104 = tpu.memref_slice %arg9[%dma_start3A_102, %dma_start3A_103] : memref<400x64xf32, #tpu.memory_space<vmem>> -> memref<100x64xf32, #tpu.memory_space<vmem>>
        %dma_start3A_105 = arith.constant 0 : i32
        %dma_start3A_106 = tpu.memref_slice %arg8[%add3A_64, %dma_start3A_105] : memref<100x100xi32, #tpu.memory_space<vmem>> -> memref<1x100xi32, #tpu.memory_space<vmem>>
        %dma_start3A_107 = tpu.memref_squeeze %dma_start3A_106 : memref<1x100xi32, #tpu.memory_space<vmem>> -> memref<100xi32, #tpu.memory_space<vmem>>
        %dma_start3A_108 = arith.constant 0 : i32
        %dma_start3A_109 = arith.constant 0 : i32
        %dma_start3A_110 = tpu.memref_slice %arg11[%dma_start3A_108, %dma_start3A_109] : memref<10240x64xf32, #tpu.memory_space<vmem_shared>> -> memref<10240x64xf32, #tpu.memory_space<vmem_shared>>
        tpu.enqueue_indirect_dma source(%dma_start3A_104 : memref<100x64xf32, #tpu.memory_space<vmem>>) target(%dma_start3A_110 : memref<10240x64xf32, #tpu.memory_space<vmem_shared>>) offsets(%dma_start3A_107 : memref<100xi32, #tpu.memory_space<vmem>>) semaphore(%run_scoped3A_101 : memref<!tpu.dma_semaphore, #tpu.memory_space<semaphore_mem>>) {add = true}
        %dma_wait3A_111 = arith.constant 200 : i32
        %dma_wait3A_112 = arith.constant 0 : i32
        %dma_wait3A_113 = tpu.memref_slice %arg9[%dma_wait3A_111, %dma_wait3A_112] : memref<400x64xf32, #tpu.memory_space<vmem>> -> memref<100x64xf32, #tpu.memory_space<vmem>>
        %dma_wait3A_114 = arith.constant 0 : i32
        %dma_wait3A_115 = tpu.memref_slice %arg8[%add3A_64, %dma_wait3A_114] : memref<100x100xi32, #tpu.memory_space<vmem>> -> memref<1x100xi32, #tpu.memory_space<vmem>>
        %dma_wait3A_116 = tpu.memref_squeeze %dma_wait3A_115 : memref<1x100xi32, #tpu.memory_space<vmem>> -> memref<100xi32, #tpu.memory_space<vmem>>
        %dma_wait3A_117 = arith.constant 0 : i32
        %dma_wait3A_118 = arith.constant 0 : i32
        %dma_wait3A_119 = tpu.memref_slice %arg11[%dma_wait3A_117, %dma_wait3A_118] : memref<10240x64xf32, #tpu.memory_space<vmem_shared>> -> memref<10240x64xf32, #tpu.memory_space<vmem_shared>>
        tpu.wait_indirect_dma semaphore(%run_scoped3A_101 : memref<!tpu.dma_semaphore, #tpu.memory_space<semaphore_mem>>) src(%dma_wait3A_113 : memref<100x64xf32, #tpu.memory_space<vmem>>) dst(%dma_wait3A_119 : memref<10240x64xf32, #tpu.memory_space<vmem_shared>>)
        tpu.yield
      }) : () -> ()
      %mul3A_65 = arith.constant 4 : i32
      %mul3A_66 = arith.muli %add3A_43, %mul3A_65 : i32
      %add3A_67 = arith.constant 3 : i32
      %add3A_68 = arith.addi %mul3A_66, %add3A_67 : i32
      "tpu.region"() ({
        %run_scoped3A_101 = tpu.sem_alloc : memref<!tpu.dma_semaphore, #tpu.memory_space<semaphore_mem>>
        %dma_start3A_102 = arith.constant 300 : i32
        %dma_start3A_103 = arith.constant 0 : i32
        %dma_start3A_104 = tpu.memref_slice %arg9[%dma_start3A_102, %dma_start3A_103] : memref<400x64xf32, #tpu.memory_space<vmem>> -> memref<100x64xf32, #tpu.memory_space<vmem>>
        %dma_start3A_105 = arith.constant 0 : i32
        %dma_start3A_106 = tpu.memref_slice %arg8[%add3A_68, %dma_start3A_105] : memref<100x100xi32, #tpu.memory_space<vmem>> -> memref<1x100xi32, #tpu.memory_space<vmem>>
        %dma_start3A_107 = tpu.memref_squeeze %dma_start3A_106 : memref<1x100xi32, #tpu.memory_space<vmem>> -> memref<100xi32, #tpu.memory_space<vmem>>
        %dma_start3A_108 = arith.constant 0 : i32
        %dma_start3A_109 = arith.constant 0 : i32
        %dma_start3A_110 = tpu.memref_slice %arg11[%dma_start3A_108, %dma_start3A_109] : memref<10240x64xf32, #tpu.memory_space<vmem_shared>> -> memref<10240x64xf32, #tpu.memory_space<vmem_shared>>
        tpu.enqueue_indirect_dma source(%dma_start3A_104 : memref<100x64xf32, #tpu.memory_space<vmem>>) target(%dma_start3A_110 : memref<10240x64xf32, #tpu.memory_space<vmem_shared>>) offsets(%dma_start3A_107 : memref<100xi32, #tpu.memory_space<vmem>>) semaphore(%run_scoped3A_101 : memref<!tpu.dma_semaphore, #tpu.memory_space<semaphore_mem>>) {add = true}
        %dma_wait3A_111 = arith.constant 300 : i32
        %dma_wait3A_112 = arith.constant 0 : i32
        %dma_wait3A_113 = tpu.memref_slice %arg9[%dma_wait3A_111, %dma_wait3A_112] : memref<400x64xf32, #tpu.memory_space<vmem>> -> memref<100x64xf32, #tpu.memory_space<vmem>>
        %dma_wait3A_114 = arith.constant 0 : i32
        %dma_wait3A_115 = tpu.memref_slice %arg8[%add3A_68, %dma_wait3A_114] : memref<100x100xi32, #tpu.memory_space<vmem>> -> memref<1x100xi32, #tpu.memory_space<vmem>>
        %dma_wait3A_116 = tpu.memref_squeeze %dma_wait3A_115 : memref<1x100xi32, #tpu.memory_space<vmem>> -> memref<100xi32, #tpu.memory_space<vmem>>
        %dma_wait3A_117 = arith.constant 0 : i32
        %dma_wait3A_118 = arith.constant 0 : i32
        %dma_wait3A_119 = tpu.memref_slice %arg11[%dma_wait3A_117, %dma_wait3A_118] : memref<10240x64xf32, #tpu.memory_space<vmem_shared>> -> memref<10240x64xf32, #tpu.memory_space<vmem_shared>>
        tpu.wait_indirect_dma semaphore(%run_scoped3A_101 : memref<!tpu.dma_semaphore, #tpu.memory_space<semaphore_mem>>) src(%dma_wait3A_113 : memref<100x64xf32, #tpu.memory_space<vmem>>) dst(%dma_wait3A_119 : memref<10240x64xf32, #tpu.memory_space<vmem_shared>>)
        tpu.yield
      }) : () -> ()
      %mul3A_69 = arith.constant 2 : i32
      %mul3A_70 = arith.muli %scan3A_40, %mul3A_69 : i32
      %add3A_71 = arith.constant 1 : i32
      %add3A_72 = arith.addi %mul3A_70, %add3A_71 : i32
      %dma_wait3A_73 = arith.constant 0 : i32
      %dma_wait3A_74 = tpu.memref_slice %arg7[%dma_wait3A_73] : memref<10000xi32, #tpu.memory_space<vmem>> -> memref<400xi32, #tpu.memory_space<vmem>>
      %dma_wait3A_75 = arith.constant 0 : i32
      %dma_wait3A_76 = arith.constant 0 : i32
      %dma_wait3A_77 = tpu.memref_slice %arg2[%dma_wait3A_75, %dma_wait3A_76] : memref<160000x64xf32, #tpu.memory_space<hbm>> -> memref<160000x64xf32, #tpu.memory_space<hbm>>
      tpu.wait_indirect_dma semaphore(%arg13 : memref<!tpu.dma_semaphore, #tpu.memory_space<semaphore_mem>>) src(%dma_wait3A_77 : memref<160000x64xf32, #tpu.memory_space<hbm>>) dst(%arg10 : memref<400x64xf32, #tpu.memory_space<vmem>>)
      %add3A_78 = arith.constant 1 : i32
      %add3A_79 = arith.addi %add3A_72, %add3A_78 : i32
      %lt3A_80 = arith.constant 25 : i32
      %lt3A_81 = arith.cmpi slt, %add3A_79, %lt3A_80 : i32
      %convert_element_type3A_82 = arith.extui %lt3A_81 : i1 to i32
      %cond3A_83 = arith.constant 0 : i32
      %cond3A_84 = arith.cmpi ne, %convert_element_type3A_82, %cond3A_83 : i32
      scf.if %cond3A_84 {
        %mul3A_101 = arith.constant 400 : i32
        %mul3A_102 = arith.muli %add3A_79, %mul3A_101 : i32
        %dma_start3A_103 = tpu.memref_slice %arg7[%mul3A_102] : memref<10000xi32, #tpu.memory_space<vmem>> -> memref<400xi32, #tpu.memory_space<vmem>>
        %dma_start3A_104 = arith.constant 0 : i32
        %dma_start3A_105 = arith.constant 0 : i32
        %dma_start3A_106 = tpu.memref_slice %arg2[%dma_start3A_104, %dma_start3A_105] : memref<160000x64xf32, #tpu.memory_space<hbm>> -> memref<160000x64xf32, #tpu.memory_space<hbm>>
        tpu.enqueue_indirect_dma source(%dma_start3A_106 : memref<160000x64xf32, #tpu.memory_space<hbm>>) target(%arg9 : memref<400x64xf32, #tpu.memory_space<vmem>>) offsets(%dma_start3A_103 : memref<400xi32, #tpu.memory_space<vmem>>) semaphore(%arg12 : memref<!tpu.dma_semaphore, #tpu.memory_space<semaphore_mem>>)
      } else {
      }
      %mul3A_85 = arith.constant 4 : i32
      %mul3A_86 = arith.muli %add3A_72, %mul3A_85 : i32
      %add3A_87 = arith.constant 0 : i32
      %add3A_88 = arith.addi %mul3A_86, %add3A_87 : i32
      "tpu.region"() ({
        %run_scoped3A_101 = tpu.sem_alloc : memref<!tpu.dma_semaphore, #tpu.memory_space<semaphore_mem>>
        %dma_start3A_102 = arith.constant 0 : i32
        %dma_start3A_103 = arith.constant 0 : i32
        %dma_start3A_104 = tpu.memref_slice %arg10[%dma_start3A_102, %dma_start3A_103] : memref<400x64xf32, #tpu.memory_space<vmem>> -> memref<100x64xf32, #tpu.memory_space<vmem>>
        %dma_start3A_105 = arith.constant 0 : i32
        %dma_start3A_106 = tpu.memref_slice %arg8[%add3A_88, %dma_start3A_105] : memref<100x100xi32, #tpu.memory_space<vmem>> -> memref<1x100xi32, #tpu.memory_space<vmem>>
        %dma_start3A_107 = tpu.memref_squeeze %dma_start3A_106 : memref<1x100xi32, #tpu.memory_space<vmem>> -> memref<100xi32, #tpu.memory_space<vmem>>
        %dma_start3A_108 = arith.constant 0 : i32
        %dma_start3A_109 = arith.constant 0 : i32
        %dma_start3A_110 = tpu.memref_slice %arg11[%dma_start3A_108, %dma_start3A_109] : memref<10240x64xf32, #tpu.memory_space<vmem_shared>> -> memref<10240x64xf32, #tpu.memory_space<vmem_shared>>
        tpu.enqueue_indirect_dma source(%dma_start3A_104 : memref<100x64xf32, #tpu.memory_space<vmem>>) target(%dma_start3A_110 : memref<10240x64xf32, #tpu.memory_space<vmem_shared>>) offsets(%dma_start3A_107 : memref<100xi32, #tpu.memory_space<vmem>>) semaphore(%run_scoped3A_101 : memref<!tpu.dma_semaphore, #tpu.memory_space<semaphore_mem>>) {add = true}
        %dma_wait3A_111 = arith.constant 0 : i32
        %dma_wait3A_112 = arith.constant 0 : i32
        %dma_wait3A_113 = tpu.memref_slice %arg10[%dma_wait3A_111, %dma_wait3A_112] : memref<400x64xf32, #tpu.memory_space<vmem>> -> memref<100x64xf32, #tpu.memory_space<vmem>>
        %dma_wait3A_114 = arith.constant 0 : i32
        %dma_wait3A_115 = tpu.memref_slice %arg8[%add3A_88, %dma_wait3A_114] : memref<100x100xi32, #tpu.memory_space<vmem>> -> memref<1x100xi32, #tpu.memory_space<vmem>>
        %dma_wait3A_116 = tpu.memref_squeeze %dma_wait3A_115 : memref<1x100xi32, #tpu.memory_space<vmem>> -> memref<100xi32, #tpu.memory_space<vmem>>
        %dma_wait3A_117 = arith.constant 0 : i32
        %dma_wait3A_118 = arith.constant 0 : i32
        %dma_wait3A_119 = tpu.memref_slice %arg11[%dma_wait3A_117, %dma_wait3A_118] : memref<10240x64xf32, #tpu.memory_space<vmem_shared>> -> memref<10240x64xf32, #tpu.memory_space<vmem_shared>>
        tpu.wait_indirect_dma semaphore(%run_scoped3A_101 : memref<!tpu.dma_semaphore, #tpu.memory_space<semaphore_mem>>) src(%dma_wait3A_113 : memref<100x64xf32, #tpu.memory_space<vmem>>) dst(%dma_wait3A_119 : memref<10240x64xf32, #tpu.memory_space<vmem_shared>>)
        tpu.yield
      }) : () -> ()
      %mul3A_89 = arith.constant 4 : i32
      %mul3A_90 = arith.muli %add3A_72, %mul3A_89 : i32
      %add3A_91 = arith.constant 1 : i32
      %add3A_92 = arith.addi %mul3A_90, %add3A_91 : i32
      "tpu.region"() ({
        %run_scoped3A_101 = tpu.sem_alloc : memref<!tpu.dma_semaphore, #tpu.memory_space<semaphore_mem>>
        %dma_start3A_102 = arith.constant 100 : i32
        %dma_start3A_103 = arith.constant 0 : i32
        %dma_start3A_104 = tpu.memref_slice %arg10[%dma_start3A_102, %dma_start3A_103] : memref<400x64xf32, #tpu.memory_space<vmem>> -> memref<100x64xf32, #tpu.memory_space<vmem>>
        %dma_start3A_105 = arith.constant 0 : i32
        %dma_start3A_106 = tpu.memref_slice %arg8[%add3A_92, %dma_start3A_105] : memref<100x100xi32, #tpu.memory_space<vmem>> -> memref<1x100xi32, #tpu.memory_space<vmem>>
        %dma_start3A_107 = tpu.memref_squeeze %dma_start3A_106 : memref<1x100xi32, #tpu.memory_space<vmem>> -> memref<100xi32, #tpu.memory_space<vmem>>
        %dma_start3A_108 = arith.constant 0 : i32
        %dma_start3A_109 = arith.constant 0 : i32
        %dma_start3A_110 = tpu.memref_slice %arg11[%dma_start3A_108, %dma_start3A_109] : memref<10240x64xf32, #tpu.memory_space<vmem_shared>> -> memref<10240x64xf32, #tpu.memory_space<vmem_shared>>
        tpu.enqueue_indirect_dma source(%dma_start3A_104 : memref<100x64xf32, #tpu.memory_space<vmem>>) target(%dma_start3A_110 : memref<10240x64xf32, #tpu.memory_space<vmem_shared>>) offsets(%dma_start3A_107 : memref<100xi32, #tpu.memory_space<vmem>>) semaphore(%run_scoped3A_101 : memref<!tpu.dma_semaphore, #tpu.memory_space<semaphore_mem>>) {add = true}
        %dma_wait3A_111 = arith.constant 100 : i32
        %dma_wait3A_112 = arith.constant 0 : i32
        %dma_wait3A_113 = tpu.memref_slice %arg10[%dma_wait3A_111, %dma_wait3A_112] : memref<400x64xf32, #tpu.memory_space<vmem>> -> memref<100x64xf32, #tpu.memory_space<vmem>>
        %dma_wait3A_114 = arith.constant 0 : i32
        %dma_wait3A_115 = tpu.memref_slice %arg8[%add3A_92, %dma_wait3A_114] : memref<100x100xi32, #tpu.memory_space<vmem>> -> memref<1x100xi32, #tpu.memory_space<vmem>>
        %dma_wait3A_116 = tpu.memref_squeeze %dma_wait3A_115 : memref<1x100xi32, #tpu.memory_space<vmem>> -> memref<100xi32, #tpu.memory_space<vmem>>
        %dma_wait3A_117 = arith.constant 0 : i32
        %dma_wait3A_118 = arith.constant 0 : i32
        %dma_wait3A_119 = tpu.memref_slice %arg11[%dma_wait3A_117, %dma_wait3A_118] : memref<10240x64xf32, #tpu.memory_space<vmem_shared>> -> memref<10240x64xf32, #tpu.memory_space<vmem_shared>>
        tpu.wait_indirect_dma semaphore(%run_scoped3A_101 : memref<!tpu.dma_semaphore, #tpu.memory_space<semaphore_mem>>) src(%dma_wait3A_113 : memref<100x64xf32, #tpu.memory_space<vmem>>) dst(%dma_wait3A_119 : memref<10240x64xf32, #tpu.memory_space<vmem_shared>>)
        tpu.yield
      }) : () -> ()
      %mul3A_93 = arith.constant 4 : i32
      %mul3A_94 = arith.muli %add3A_72, %mul3A_93 : i32
      %add3A_95 = arith.constant 2 : i32
      %add3A_96 = arith.addi %mul3A_94, %add3A_95 : i32
      "tpu.region"() ({
        %run_scoped3A_101 = tpu.sem_alloc : memref<!tpu.dma_semaphore, #tpu.memory_space<semaphore_mem>>
        %dma_start3A_102 = arith.constant 200 : i32
        %dma_start3A_103 = arith.constant 0 : i32
        %dma_start3A_104 = tpu.memref_slice %arg10[%dma_start3A_102, %dma_start3A_103] : memref<400x64xf32, #tpu.memory_space<vmem>> -> memref<100x64xf32, #tpu.memory_space<vmem>>
        %dma_start3A_105 = arith.constant 0 : i32
        %dma_start3A_106 = tpu.memref_slice %arg8[%add3A_96, %dma_start3A_105] : memref<100x100xi32, #tpu.memory_space<vmem>> -> memref<1x100xi32, #tpu.memory_space<vmem>>
        %dma_start3A_107 = tpu.memref_squeeze %dma_start3A_106 : memref<1x100xi32, #tpu.memory_space<vmem>> -> memref<100xi32, #tpu.memory_space<vmem>>
        %dma_start3A_108 = arith.constant 0 : i32
        %dma_start3A_109 = arith.constant 0 : i32
        %dma_start3A_110 = tpu.memref_slice %arg11[%dma_start3A_108, %dma_start3A_109] : memref<10240x64xf32, #tpu.memory_space<vmem_shared>> -> memref<10240x64xf32, #tpu.memory_space<vmem_shared>>
        tpu.enqueue_indirect_dma source(%dma_start3A_104 : memref<100x64xf32, #tpu.memory_space<vmem>>) target(%dma_start3A_110 : memref<10240x64xf32, #tpu.memory_space<vmem_shared>>) offsets(%dma_start3A_107 : memref<100xi32, #tpu.memory_space<vmem>>) semaphore(%run_scoped3A_101 : memref<!tpu.dma_semaphore, #tpu.memory_space<semaphore_mem>>) {add = true}
        %dma_wait3A_111 = arith.constant 200 : i32
        %dma_wait3A_112 = arith.constant 0 : i32
        %dma_wait3A_113 = tpu.memref_slice %arg10[%dma_wait3A_111, %dma_wait3A_112] : memref<400x64xf32, #tpu.memory_space<vmem>> -> memref<100x64xf32, #tpu.memory_space<vmem>>
        %dma_wait3A_114 = arith.constant 0 : i32
        %dma_wait3A_115 = tpu.memref_slice %arg8[%add3A_96, %dma_wait3A_114] : memref<100x100xi32, #tpu.memory_space<vmem>> -> memref<1x100xi32, #tpu.memory_space<vmem>>
        %dma_wait3A_116 = tpu.memref_squeeze %dma_wait3A_115 : memref<1x100xi32, #tpu.memory_space<vmem>> -> memref<100xi32, #tpu.memory_space<vmem>>
        %dma_wait3A_117 = arith.constant 0 : i32
        %dma_wait3A_118 = arith.constant 0 : i32
        %dma_wait3A_119 = tpu.memref_slice %arg11[%dma_wait3A_117, %dma_wait3A_118] : memref<10240x64xf32, #tpu.memory_space<vmem_shared>> -> memref<10240x64xf32, #tpu.memory_space<vmem_shared>>
        tpu.wait_indirect_dma semaphore(%run_scoped3A_101 : memref<!tpu.dma_semaphore, #tpu.memory_space<semaphore_mem>>) src(%dma_wait3A_113 : memref<100x64xf32, #tpu.memory_space<vmem>>) dst(%dma_wait3A_119 : memref<10240x64xf32, #tpu.memory_space<vmem_shared>>)
        tpu.yield
      }) : () -> ()
      %mul3A_97 = arith.constant 4 : i32
      %mul3A_98 = arith.muli %add3A_72, %mul3A_97 : i32
      %add3A_99 = arith.constant 3 : i32
      %add3A_100 = arith.addi %mul3A_98, %add3A_99 : i32
      "tpu.region"() ({
        %run_scoped3A_101 = tpu.sem_alloc : memref<!tpu.dma_semaphore, #tpu.memory_space<semaphore_mem>>
        %dma_start3A_102 = arith.constant 300 : i32
        %dma_start3A_103 = arith.constant 0 : i32
        %dma_start3A_104 = tpu.memref_slice %arg10[%dma_start3A_102, %dma_start3A_103] : memref<400x64xf32, #tpu.memory_space<vmem>> -> memref<100x64xf32, #tpu.memory_space<vmem>>
        %dma_start3A_105 = arith.constant 0 : i32
        %dma_start3A_106 = tpu.memref_slice %arg8[%add3A_100, %dma_start3A_105] : memref<100x100xi32, #tpu.memory_space<vmem>> -> memref<1x100xi32, #tpu.memory_space<vmem>>
        %dma_start3A_107 = tpu.memref_squeeze %dma_start3A_106 : memref<1x100xi32, #tpu.memory_space<vmem>> -> memref<100xi32, #tpu.memory_space<vmem>>
        %dma_start3A_108 = arith.constant 0 : i32
        %dma_start3A_109 = arith.constant 0 : i32
        %dma_start3A_110 = tpu.memref_slice %arg11[%dma_start3A_108, %dma_start3A_109] : memref<10240x64xf32, #tpu.memory_space<vmem_shared>> -> memref<10240x64xf32, #tpu.memory_space<vmem_shared>>
        tpu.enqueue_indirect_dma source(%dma_start3A_104 : memref<100x64xf32, #tpu.memory_space<vmem>>) target(%dma_start3A_110 : memref<10240x64xf32, #tpu.memory_space<vmem_shared>>) offsets(%dma_start3A_107 : memref<100xi32, #tpu.memory_space<vmem>>) semaphore(%run_scoped3A_101 : memref<!tpu.dma_semaphore, #tpu.memory_space<semaphore_mem>>) {add = true}
        %dma_wait3A_111 = arith.constant 300 : i32
        %dma_wait3A_112 = arith.constant 0 : i32
        %dma_wait3A_113 = tpu.memref_slice %arg10[%dma_wait3A_111, %dma_wait3A_112] : memref<400x64xf32, #tpu.memory_space<vmem>> -> memref<100x64xf32, #tpu.memory_space<vmem>>
        %dma_wait3A_114 = arith.constant 0 : i32
        %dma_wait3A_115 = tpu.memref_slice %arg8[%add3A_100, %dma_wait3A_114] : memref<100x100xi32, #tpu.memory_space<vmem>> -> memref<1x100xi32, #tpu.memory_space<vmem>>
        %dma_wait3A_116 = tpu.memref_squeeze %dma_wait3A_115 : memref<1x100xi32, #tpu.memory_space<vmem>> -> memref<100xi32, #tpu.memory_space<vmem>>
        %dma_wait3A_117 = arith.constant 0 : i32
        %dma_wait3A_118 = arith.constant 0 : i32
        %dma_wait3A_119 = tpu.memref_slice %arg11[%dma_wait3A_117, %dma_wait3A_118] : memref<10240x64xf32, #tpu.memory_space<vmem_shared>> -> memref<10240x64xf32, #tpu.memory_space<vmem_shared>>
        tpu.wait_indirect_dma semaphore(%run_scoped3A_101 : memref<!tpu.dma_semaphore, #tpu.memory_space<semaphore_mem>>) src(%dma_wait3A_113 : memref<100x64xf32, #tpu.memory_space<vmem>>) dst(%dma_wait3A_119 : memref<10240x64xf32, #tpu.memory_space<vmem_shared>>)
        tpu.yield
      }) : () -> ()
    }
    %scan3A_9 = arith.constant 12 : i32
    %dma_wait3A = arith.constant 0 : i32
    %dma_wait3A_10 = tpu.memref_slice %arg7[%dma_wait3A] : memref<10000xi32, #tpu.memory_space<vmem>> -> memref<400xi32, #tpu.memory_space<vmem>>
    %dma_wait3A_11 = arith.constant 0 : i32
    %dma_wait3A_12 = arith.constant 0 : i32
    %dma_wait3A_13 = tpu.memref_slice %arg2[%dma_wait3A_11, %dma_wait3A_12] : memref<160000x64xf32, #tpu.memory_space<hbm>> -> memref<160000x64xf32, #tpu.memory_space<hbm>>
    tpu.wait_indirect_dma semaphore(%arg12 : memref<!tpu.dma_semaphore, #tpu.memory_space<semaphore_mem>>) src(%dma_wait3A_13 : memref<160000x64xf32, #tpu.memory_space<hbm>>) dst(%arg9 : memref<400x64xf32, #tpu.memory_space<vmem>>)
    %run_scoped3A_14 = arith.constant 96 : i32
    "tpu.region"() ({
      %run_scoped3A_40 = tpu.sem_alloc : memref<!tpu.dma_semaphore, #tpu.memory_space<semaphore_mem>>
      %dma_start3A_41 = arith.constant 0 : i32
      %dma_start3A_42 = arith.constant 0 : i32
      %dma_start3A_43 = tpu.memref_slice %arg9[%dma_start3A_41, %dma_start3A_42] : memref<400x64xf32, #tpu.memory_space<vmem>> -> memref<100x64xf32, #tpu.memory_space<vmem>>
      %dma_start3A_44 = arith.constant 0 : i32
      %dma_start3A_45 = tpu.memref_slice %arg8[%run_scoped3A_14, %dma_start3A_44] : memref<100x100xi32, #tpu.memory_space<vmem>> -> memref<1x100xi32, #tpu.memory_space<vmem>>
      %dma_start3A_46 = tpu.memref_squeeze %dma_start3A_45 : memref<1x100xi32, #tpu.memory_space<vmem>> -> memref<100xi32, #tpu.memory_space<vmem>>
      %dma_start3A_47 = arith.constant 0 : i32
      %dma_start3A_48 = arith.constant 0 : i32
      %dma_start3A_49 = tpu.memref_slice %arg11[%dma_start3A_47, %dma_start3A_48] : memref<10240x64xf32, #tpu.memory_space<vmem_shared>> -> memref<10240x64xf32, #tpu.memory_space<vmem_shared>>
      tpu.enqueue_indirect_dma source(%dma_start3A_43 : memref<100x64xf32, #tpu.memory_space<vmem>>) target(%dma_start3A_49 : memref<10240x64xf32, #tpu.memory_space<vmem_shared>>) offsets(%dma_start3A_46 : memref<100xi32, #tpu.memory_space<vmem>>) semaphore(%run_scoped3A_40 : memref<!tpu.dma_semaphore, #tpu.memory_space<semaphore_mem>>) {add = true}
      %dma_wait3A_50 = arith.constant 0 : i32
      %dma_wait3A_51 = arith.constant 0 : i32
      %dma_wait3A_52 = tpu.memref_slice %arg9[%dma_wait3A_50, %dma_wait3A_51] : memref<400x64xf32, #tpu.memory_space<vmem>> -> memref<100x64xf32, #tpu.memory_space<vmem>>
      %dma_wait3A_53 = arith.constant 0 : i32
      %dma_wait3A_54 = tpu.memref_slice %arg8[%run_scoped3A_14, %dma_wait3A_53] : memref<100x100xi32, #tpu.memory_space<vmem>> -> memref<1x100xi32, #tpu.memory_space<vmem>>
      %dma_wait3A_55 = tpu.memref_squeeze %dma_wait3A_54 : memref<1x100xi32, #tpu.memory_space<vmem>> -> memref<100xi32, #tpu.memory_space<vmem>>
      %dma_wait3A_56 = arith.constant 0 : i32
      %dma_wait3A_57 = arith.constant 0 : i32
      %dma_wait3A_58 = tpu.memref_slice %arg11[%dma_wait3A_56, %dma_wait3A_57] : memref<10240x64xf32, #tpu.memory_space<vmem_shared>> -> memref<10240x64xf32, #tpu.memory_space<vmem_shared>>
      tpu.wait_indirect_dma semaphore(%run_scoped3A_40 : memref<!tpu.dma_semaphore, #tpu.memory_space<semaphore_mem>>) src(%dma_wait3A_52 : memref<100x64xf32, #tpu.memory_space<vmem>>) dst(%dma_wait3A_58 : memref<10240x64xf32, #tpu.memory_space<vmem_shared>>)
      tpu.yield
    }) : () -> ()
    %run_scoped3A_15 = arith.constant 97 : i32
    "tpu.region"() ({
      %run_scoped3A_40 = tpu.sem_alloc : memref<!tpu.dma_semaphore, #tpu.memory_space<semaphore_mem>>
      %dma_start3A_41 = arith.constant 100 : i32
      %dma_start3A_42 = arith.constant 0 : i32
      %dma_start3A_43 = tpu.memref_slice %arg9[%dma_start3A_41, %dma_start3A_42] : memref<400x64xf32, #tpu.memory_space<vmem>> -> memref<100x64xf32, #tpu.memory_space<vmem>>
      %dma_start3A_44 = arith.constant 0 : i32
      %dma_start3A_45 = tpu.memref_slice %arg8[%run_scoped3A_15, %dma_start3A_44] : memref<100x100xi32, #tpu.memory_space<vmem>> -> memref<1x100xi32, #tpu.memory_space<vmem>>
      %dma_start3A_46 = tpu.memref_squeeze %dma_start3A_45 : memref<1x100xi32, #tpu.memory_space<vmem>> -> memref<100xi32, #tpu.memory_space<vmem>>
      %dma_start3A_47 = arith.constant 0 : i32
      %dma_start3A_48 = arith.constant 0 : i32
      %dma_start3A_49 = tpu.memref_slice %arg11[%dma_start3A_47, %dma_start3A_48] : memref<10240x64xf32, #tpu.memory_space<vmem_shared>> -> memref<10240x64xf32, #tpu.memory_space<vmem_shared>>
      tpu.enqueue_indirect_dma source(%dma_start3A_43 : memref<100x64xf32, #tpu.memory_space<vmem>>) target(%dma_start3A_49 : memref<10240x64xf32, #tpu.memory_space<vmem_shared>>) offsets(%dma_start3A_46 : memref<100xi32, #tpu.memory_space<vmem>>) semaphore(%run_scoped3A_40 : memref<!tpu.dma_semaphore, #tpu.memory_space<semaphore_mem>>) {add = true}
      %dma_wait3A_50 = arith.constant 100 : i32
      %dma_wait3A_51 = arith.constant 0 : i32
      %dma_wait3A_52 = tpu.memref_slice %arg9[%dma_wait3A_50, %dma_wait3A_51] : memref<400x64xf32, #tpu.memory_space<vmem>> -> memref<100x64xf32, #tpu.memory_space<vmem>>
      %dma_wait3A_53 = arith.constant 0 : i32
      %dma_wait3A_54 = tpu.memref_slice %arg8[%run_scoped3A_15, %dma_wait3A_53] : memref<100x100xi32, #tpu.memory_space<vmem>> -> memref<1x100xi32, #tpu.memory_space<vmem>>
      %dma_wait3A_55 = tpu.memref_squeeze %dma_wait3A_54 : memref<1x100xi32, #tpu.memory_space<vmem>> -> memref<100xi32, #tpu.memory_space<vmem>>
      %dma_wait3A_56 = arith.constant 0 : i32
      %dma_wait3A_57 = arith.constant 0 : i32
      %dma_wait3A_58 = tpu.memref_slice %arg11[%dma_wait3A_56, %dma_wait3A_57] : memref<10240x64xf32, #tpu.memory_space<vmem_shared>> -> memref<10240x64xf32, #tpu.memory_space<vmem_shared>>
      tpu.wait_indirect_dma semaphore(%run_scoped3A_40 : memref<!tpu.dma_semaphore, #tpu.memory_space<semaphore_mem>>) src(%dma_wait3A_52 : memref<100x64xf32, #tpu.memory_space<vmem>>) dst(%dma_wait3A_58 : memref<10240x64xf32, #tpu.memory_space<vmem_shared>>)
      tpu.yield
    }) : () -> ()
    %run_scoped3A_16 = arith.constant 98 : i32
    "tpu.region"() ({
      %run_scoped3A_40 = tpu.sem_alloc : memref<!tpu.dma_semaphore, #tpu.memory_space<semaphore_mem>>
      %dma_start3A_41 = arith.constant 200 : i32
      %dma_start3A_42 = arith.constant 0 : i32
      %dma_start3A_43 = tpu.memref_slice %arg9[%dma_start3A_41, %dma_start3A_42] : memref<400x64xf32, #tpu.memory_space<vmem>> -> memref<100x64xf32, #tpu.memory_space<vmem>>
      %dma_start3A_44 = arith.constant 0 : i32
      %dma_start3A_45 = tpu.memref_slice %arg8[%run_scoped3A_16, %dma_start3A_44] : memref<100x100xi32, #tpu.memory_space<vmem>> -> memref<1x100xi32, #tpu.memory_space<vmem>>
      %dma_start3A_46 = tpu.memref_squeeze %dma_start3A_45 : memref<1x100xi32, #tpu.memory_space<vmem>> -> memref<100xi32, #tpu.memory_space<vmem>>
      %dma_start3A_47 = arith.constant 0 : i32
      %dma_start3A_48 = arith.constant 0 : i32
      %dma_start3A_49 = tpu.memref_slice %arg11[%dma_start3A_47, %dma_start3A_48] : memref<10240x64xf32, #tpu.memory_space<vmem_shared>> -> memref<10240x64xf32, #tpu.memory_space<vmem_shared>>
      tpu.enqueue_indirect_dma source(%dma_start3A_43 : memref<100x64xf32, #tpu.memory_space<vmem>>) target(%dma_start3A_49 : memref<10240x64xf32, #tpu.memory_space<vmem_shared>>) offsets(%dma_start3A_46 : memref<100xi32, #tpu.memory_space<vmem>>) semaphore(%run_scoped3A_40 : memref<!tpu.dma_semaphore, #tpu.memory_space<semaphore_mem>>) {add = true}
      %dma_wait3A_50 = arith.constant 200 : i32
      %dma_wait3A_51 = arith.constant 0 : i32
      %dma_wait3A_52 = tpu.memref_slice %arg9[%dma_wait3A_50, %dma_wait3A_51] : memref<400x64xf32, #tpu.memory_space<vmem>> -> memref<100x64xf32, #tpu.memory_space<vmem>>
      %dma_wait3A_53 = arith.constant 0 : i32
      %dma_wait3A_54 = tpu.memref_slice %arg8[%run_scoped3A_16, %dma_wait3A_53] : memref<100x100xi32, #tpu.memory_space<vmem>> -> memref<1x100xi32, #tpu.memory_space<vmem>>
      %dma_wait3A_55 = tpu.memref_squeeze %dma_wait3A_54 : memref<1x100xi32, #tpu.memory_space<vmem>> -> memref<100xi32, #tpu.memory_space<vmem>>
      %dma_wait3A_56 = arith.constant 0 : i32
      %dma_wait3A_57 = arith.constant 0 : i32
      %dma_wait3A_58 = tpu.memref_slice %arg11[%dma_wait3A_56, %dma_wait3A_57] : memref<10240x64xf32, #tpu.memory_space<vmem_shared>> -> memref<10240x64xf32, #tpu.memory_space<vmem_shared>>
      tpu.wait_indirect_dma semaphore(%run_scoped3A_40 : memref<!tpu.dma_semaphore, #tpu.memory_space<semaphore_mem>>) src(%dma_wait3A_52 : memref<100x64xf32, #tpu.memory_space<vmem>>) dst(%dma_wait3A_58 : memref<10240x64xf32, #tpu.memory_space<vmem_shared>>)
      tpu.yield
    }) : () -> ()
    %run_scoped3A_17 = arith.constant 99 : i32
    "tpu.region"() ({
      %run_scoped3A_40 = tpu.sem_alloc : memref<!tpu.dma_semaphore, #tpu.memory_space<semaphore_mem>>
      %dma_start3A_41 = arith.constant 300 : i32
      %dma_start3A_42 = arith.constant 0 : i32
      %dma_start3A_43 = tpu.memref_slice %arg9[%dma_start3A_41, %dma_start3A_42] : memref<400x64xf32, #tpu.memory_space<vmem>> -> memref<100x64xf32, #tpu.memory_space<vmem>>
      %dma_start3A_44 = arith.constant 0 : i32
      %dma_start3A_45 = tpu.memref_slice %arg8[%run_scoped3A_17, %dma_start3A_44] : memref<100x100xi32, #tpu.memory_space<vmem>> -> memref<1x100xi32, #tpu.memory_space<vmem>>
      %dma_start3A_46 = tpu.memref_squeeze %dma_start3A_45 : memref<1x100xi32, #tpu.memory_space<vmem>> -> memref<100xi32, #tpu.memory_space<vmem>>
      %dma_start3A_47 = arith.constant 0 : i32
      %dma_start3A_48 = arith.constant 0 : i32
      %dma_start3A_49 = tpu.memref_slice %arg11[%dma_start3A_47, %dma_start3A_48] : memref<10240x64xf32, #tpu.memory_space<vmem_shared>> -> memref<10240x64xf32, #tpu.memory_space<vmem_shared>>
      tpu.enqueue_indirect_dma source(%dma_start3A_43 : memref<100x64xf32, #tpu.memory_space<vmem>>) target(%dma_start3A_49 : memref<10240x64xf32, #tpu.memory_space<vmem_shared>>) offsets(%dma_start3A_46 : memref<100xi32, #tpu.memory_space<vmem>>) semaphore(%run_scoped3A_40 : memref<!tpu.dma_semaphore, #tpu.memory_space<semaphore_mem>>) {add = true}
      %dma_wait3A_50 = arith.constant 300 : i32
      %dma_wait3A_51 = arith.constant 0 : i32
      %dma_wait3A_52 = tpu.memref_slice %arg9[%dma_wait3A_50, %dma_wait3A_51] : memref<400x64xf32, #tpu.memory_space<vmem>> -> memref<100x64xf32, #tpu.memory_space<vmem>>
      %dma_wait3A_53 = arith.constant 0 : i32
      %dma_wait3A_54 = tpu.memref_slice %arg8[%run_scoped3A_17, %dma_wait3A_53] : memref<100x100xi32, #tpu.memory_space<vmem>> -> memref<1x100xi32, #tpu.memory_space<vmem>>
      %dma_wait3A_55 = tpu.memref_squeeze %dma_wait3A_54 : memref<1x100xi32, #tpu.memory_space<vmem>> -> memref<100xi32, #tpu.memory_space<vmem>>
      %dma_wait3A_56 = arith.constant 0 : i32
      %dma_wait3A_57 = arith.constant 0 : i32
      %dma_wait3A_58 = tpu.memref_slice %arg11[%dma_wait3A_56, %dma_wait3A_57] : memref<10240x64xf32, #tpu.memory_space<vmem_shared>> -> memref<10240x64xf32, #tpu.memory_space<vmem_shared>>
      tpu.wait_indirect_dma semaphore(%run_scoped3A_40 : memref<!tpu.dma_semaphore, #tpu.memory_space<semaphore_mem>>) src(%dma_wait3A_52 : memref<100x64xf32, #tpu.memory_space<vmem>>) dst(%dma_wait3A_58 : memref<10240x64xf32, #tpu.memory_space<vmem_shared>>)
      tpu.yield
    }) : () -> ()
    "tpu.region"() ({
      %run_scoped3A_40 = tpu.sem_alloc : memref<!tpu.dma_semaphore, #tpu.memory_space<semaphore_mem>>
      %dma_start3A_41 = arith.constant 10000 : i32
      %dma_start3A_42 = tpu.memref_slice %arg3[%arg0, %arg1, %dma_start3A_41] : memref<2x16x20000xi32, #tpu.memory_space<hbm>> -> memref<1x1x10000xi32, #tpu.memory_space<hbm>>
      %dma_start3A_43 = tpu.memref_squeeze %dma_start3A_42 : memref<1x1x10000xi32, #tpu.memory_space<hbm>> -> memref<10000xi32, #tpu.memory_space<hbm>>
      %dma_start3A_44 = arith.constant 10000 : i32
      %dma_start3A_45 = tpu.memref_slice %arg3[%arg0, %arg1, %dma_start3A_44] : memref<2x16x20000xi32, #tpu.memory_space<hbm>> -> memref<1x1x10000xi32, #tpu.memory_space<hbm>>
      %dma_start3A_46 = tpu.memref_squeeze %dma_start3A_45 : memref<1x1x10000xi32, #tpu.memory_space<hbm>> -> memref<10000xi32, #tpu.memory_space<hbm>>
      tpu.enqueue_dma source(%dma_start3A_46 : memref<10000xi32, #tpu.memory_space<hbm>>) target(%arg7 : memref<10000xi32, #tpu.memory_space<vmem>>) target_semaphore(%run_scoped3A_40 : memref<!tpu.dma_semaphore, #tpu.memory_space<semaphore_mem>>)
      %dma_wait3A_47 = arith.constant 10000 : i32
      %dma_wait3A_48 = tpu.memref_slice %arg3[%arg0, %arg1, %dma_wait3A_47] : memref<2x16x20000xi32, #tpu.memory_space<hbm>> -> memref<1x1x10000xi32, #tpu.memory_space<hbm>>
      %dma_wait3A_49 = tpu.memref_squeeze %dma_wait3A_48 : memref<1x1x10000xi32, #tpu.memory_space<hbm>> -> memref<10000xi32, #tpu.memory_space<hbm>>
      %dma_wait3A_50 = arith.constant 10000 : i32
      %dma_wait3A_51 = tpu.memref_slice %arg3[%arg0, %arg1, %dma_wait3A_50] : memref<2x16x20000xi32, #tpu.memory_space<hbm>> -> memref<1x1x10000xi32, #tpu.memory_space<hbm>>
      %dma_wait3A_52 = tpu.memref_squeeze %dma_wait3A_51 : memref<1x1x10000xi32, #tpu.memory_space<hbm>> -> memref<10000xi32, #tpu.memory_space<hbm>>
      tpu.wait_dma2 semaphore(%run_scoped3A_40 : memref<!tpu.dma_semaphore, #tpu.memory_space<semaphore_mem>>) src(%dma_wait3A_52 : memref<10000xi32, #tpu.memory_space<hbm>>) dst(%arg7 : memref<10000xi32, #tpu.memory_space<vmem>>)
      tpu.yield
    }) : () -> ()
    %run_scoped3A_18 = arith.constant 1 : i32
    "tpu.region"() ({
      %run_scoped3A_40 = tpu.sem_alloc : memref<!tpu.dma_semaphore, #tpu.memory_space<semaphore_mem>>
      %dma_start3A_41 = arith.constant 0 : i32
      %dma_start3A_42 = arith.constant 0 : i32
      %dma_start3A_43 = tpu.memref_slice %arg4[%arg1, %run_scoped3A_18, %dma_start3A_41, %dma_start3A_42] : memref<16x2x100x100xi32, #tpu.memory_space<hbm>> -> memref<1x1x100x100xi32, #tpu.memory_space<hbm>>
      %dma_start3A_44 = tpu.memref_squeeze %dma_start3A_43 : memref<1x1x100x100xi32, #tpu.memory_space<hbm>> -> memref<100x100xi32, #tpu.memory_space<hbm>>
      %dma_start3A_45 = arith.constant 0 : i32
      %dma_start3A_46 = arith.constant 0 : i32
      %dma_start3A_47 = tpu.memref_slice %arg4[%arg1, %run_scoped3A_18, %dma_start3A_45, %dma_start3A_46] : memref<16x2x100x100xi32, #tpu.memory_space<hbm>> -> memref<1x1x100x100xi32, #tpu.memory_space<hbm>>
      %dma_start3A_48 = tpu.memref_squeeze %dma_start3A_47 : memref<1x1x100x100xi32, #tpu.memory_space<hbm>> -> memref<100x100xi32, #tpu.memory_space<hbm>>
      tpu.enqueue_dma source(%dma_start3A_48 : memref<100x100xi32, #tpu.memory_space<hbm>>) target(%arg8 : memref<100x100xi32, #tpu.memory_space<vmem>>) target_semaphore(%run_scoped3A_40 : memref<!tpu.dma_semaphore, #tpu.memory_space<semaphore_mem>>)
      %dma_wait3A_49 = arith.constant 0 : i32
      %dma_wait3A_50 = arith.constant 0 : i32
      %dma_wait3A_51 = tpu.memref_slice %arg4[%arg1, %run_scoped3A_18, %dma_wait3A_49, %dma_wait3A_50] : memref<16x2x100x100xi32, #tpu.memory_space<hbm>> -> memref<1x1x100x100xi32, #tpu.memory_space<hbm>>
      %dma_wait3A_52 = tpu.memref_squeeze %dma_wait3A_51 : memref<1x1x100x100xi32, #tpu.memory_space<hbm>> -> memref<100x100xi32, #tpu.memory_space<hbm>>
      %dma_wait3A_53 = arith.constant 0 : i32
      %dma_wait3A_54 = arith.constant 0 : i32
      %dma_wait3A_55 = tpu.memref_slice %arg4[%arg1, %run_scoped3A_18, %dma_wait3A_53, %dma_wait3A_54] : memref<16x2x100x100xi32, #tpu.memory_space<hbm>> -> memref<1x1x100x100xi32, #tpu.memory_space<hbm>>
      %dma_wait3A_56 = tpu.memref_squeeze %dma_wait3A_55 : memref<1x1x100x100xi32, #tpu.memory_space<hbm>> -> memref<100x100xi32, #tpu.memory_space<hbm>>
      tpu.wait_dma2 semaphore(%run_scoped3A_40 : memref<!tpu.dma_semaphore, #tpu.memory_space<semaphore_mem>>) src(%dma_wait3A_56 : memref<100x100xi32, #tpu.memory_space<hbm>>) dst(%arg8 : memref<100x100xi32, #tpu.memory_space<vmem>>)
      tpu.yield
    }) : () -> ()
    %dma_start3A_19 = arith.constant 0 : i32
    %dma_start3A_20 = tpu.memref_slice %arg7[%dma_start3A_19] : memref<10000xi32, #tpu.memory_space<vmem>> -> memref<400xi32, #tpu.memory_space<vmem>>
    %dma_start3A_21 = arith.constant 0 : i32
    %dma_start3A_22 = arith.constant 0 : i32
    %dma_start3A_23 = tpu.memref_slice %arg2[%dma_start3A_21, %dma_start3A_22] : memref<160000x64xf32, #tpu.memory_space<hbm>> -> memref<160000x64xf32, #tpu.memory_space<hbm>>
    tpu.enqueue_indirect_dma source(%dma_start3A_23 : memref<160000x64xf32, #tpu.memory_space<hbm>>) target(%arg9 : memref<400x64xf32, #tpu.memory_space<vmem>>) offsets(%dma_start3A_20 : memref<400xi32, #tpu.memory_space<vmem>>) semaphore(%arg12 : memref<!tpu.dma_semaphore, #tpu.memory_space<semaphore_mem>>)
    %scan3A_24 = arith.constant 0 : i32
    %scan3A_25 = arith.constant 0 : i32
    %scan3A_26 = arith.constant 12 : i32
    %scan3A_27 = arith.addi %scan3A_25, %scan3A_26 : i32
    %scan3A_28 = arith.constant 1 : i32
    scf.for %scan3A_40 = %scan3A_25 to %scan3A_27 step %scan3A_28  : i32 {
      %mul3A_41 = arith.constant 2 : i32
      %mul3A_42 = arith.muli %scan3A_40, %mul3A_41 : i32
      %add3A = arith.constant 0 : i32
      %add3A_43 = arith.addi %mul3A_42, %add3A : i32
      %dma_wait3A_44 = arith.constant 0 : i32
      %dma_wait3A_45 = tpu.memref_slice %arg7[%dma_wait3A_44] : memref<10000xi32, #tpu.memory_space<vmem>> -> memref<400xi32, #tpu.memory_space<vmem>>
      %dma_wait3A_46 = arith.constant 0 : i32
      %dma_wait3A_47 = arith.constant 0 : i32
      %dma_wait3A_48 = tpu.memref_slice %arg2[%dma_wait3A_46, %dma_wait3A_47] : memref<160000x64xf32, #tpu.memory_space<hbm>> -> memref<160000x64xf32, #tpu.memory_space<hbm>>
      tpu.wait_indirect_dma semaphore(%arg12 : memref<!tpu.dma_semaphore, #tpu.memory_space<semaphore_mem>>) src(%dma_wait3A_48 : memref<160000x64xf32, #tpu.memory_space<hbm>>) dst(%arg9 : memref<400x64xf32, #tpu.memory_space<vmem>>)
      %add3A_49 = arith.constant 1 : i32
      %add3A_50 = arith.addi %add3A_43, %add3A_49 : i32
      %lt3A = arith.constant 25 : i32
      %lt3A_51 = arith.cmpi slt, %add3A_50, %lt3A : i32
      %convert_element_type3A = arith.extui %lt3A_51 : i1 to i32
      %cond3A = arith.constant 0 : i32
      %cond3A_52 = arith.cmpi ne, %convert_element_type3A, %cond3A : i32
      scf.if %cond3A_52 {
        %mul3A_101 = arith.constant 400 : i32
        %mul3A_102 = arith.muli %add3A_50, %mul3A_101 : i32
        %dma_start3A_103 = tpu.memref_slice %arg7[%mul3A_102] : memref<10000xi32, #tpu.memory_space<vmem>> -> memref<400xi32, #tpu.memory_space<vmem>>
        %dma_start3A_104 = arith.constant 0 : i32
        %dma_start3A_105 = arith.constant 0 : i32
        %dma_start3A_106 = tpu.memref_slice %arg2[%dma_start3A_104, %dma_start3A_105] : memref<160000x64xf32, #tpu.memory_space<hbm>> -> memref<160000x64xf32, #tpu.memory_space<hbm>>
        tpu.enqueue_indirect_dma source(%dma_start3A_106 : memref<160000x64xf32, #tpu.memory_space<hbm>>) target(%arg10 : memref<400x64xf32, #tpu.memory_space<vmem>>) offsets(%dma_start3A_103 : memref<400xi32, #tpu.memory_space<vmem>>) semaphore(%arg13 : memref<!tpu.dma_semaphore, #tpu.memory_space<semaphore_mem>>)
      } else {
      }
      %mul3A_53 = arith.constant 4 : i32
      %mul3A_54 = arith.muli %add3A_43, %mul3A_53 : i32
      %add3A_55 = arith.constant 0 : i32
      %add3A_56 = arith.addi %mul3A_54, %add3A_55 : i32
      "tpu.region"() ({
        %run_scoped3A_101 = tpu.sem_alloc : memref<!tpu.dma_semaphore, #tpu.memory_space<semaphore_mem>>
        %dma_start3A_102 = arith.constant 0 : i32
        %dma_start3A_103 = arith.constant 0 : i32
        %dma_start3A_104 = tpu.memref_slice %arg9[%dma_start3A_102, %dma_start3A_103] : memref<400x64xf32, #tpu.memory_space<vmem>> -> memref<100x64xf32, #tpu.memory_space<vmem>>
        %dma_start3A_105 = arith.constant 0 : i32
        %dma_start3A_106 = tpu.memref_slice %arg8[%add3A_56, %dma_start3A_105] : memref<100x100xi32, #tpu.memory_space<vmem>> -> memref<1x100xi32, #tpu.memory_space<vmem>>
        %dma_start3A_107 = tpu.memref_squeeze %dma_start3A_106 : memref<1x100xi32, #tpu.memory_space<vmem>> -> memref<100xi32, #tpu.memory_space<vmem>>
        %dma_start3A_108 = arith.constant 0 : i32
        %dma_start3A_109 = arith.constant 0 : i32
        %dma_start3A_110 = tpu.memref_slice %arg11[%dma_start3A_108, %dma_start3A_109] : memref<10240x64xf32, #tpu.memory_space<vmem_shared>> -> memref<10240x64xf32, #tpu.memory_space<vmem_shared>>
        tpu.enqueue_indirect_dma source(%dma_start3A_104 : memref<100x64xf32, #tpu.memory_space<vmem>>) target(%dma_start3A_110 : memref<10240x64xf32, #tpu.memory_space<vmem_shared>>) offsets(%dma_start3A_107 : memref<100xi32, #tpu.memory_space<vmem>>) semaphore(%run_scoped3A_101 : memref<!tpu.dma_semaphore, #tpu.memory_space<semaphore_mem>>) {add = true}
        %dma_wait3A_111 = arith.constant 0 : i32
        %dma_wait3A_112 = arith.constant 0 : i32
        %dma_wait3A_113 = tpu.memref_slice %arg9[%dma_wait3A_111, %dma_wait3A_112] : memref<400x64xf32, #tpu.memory_space<vmem>> -> memref<100x64xf32, #tpu.memory_space<vmem>>
        %dma_wait3A_114 = arith.constant 0 : i32
        %dma_wait3A_115 = tpu.memref_slice %arg8[%add3A_56, %dma_wait3A_114] : memref<100x100xi32, #tpu.memory_space<vmem>> -> memref<1x100xi32, #tpu.memory_space<vmem>>
        %dma_wait3A_116 = tpu.memref_squeeze %dma_wait3A_115 : memref<1x100xi32, #tpu.memory_space<vmem>> -> memref<100xi32, #tpu.memory_space<vmem>>
        %dma_wait3A_117 = arith.constant 0 : i32
        %dma_wait3A_118 = arith.constant 0 : i32
        %dma_wait3A_119 = tpu.memref_slice %arg11[%dma_wait3A_117, %dma_wait3A_118] : memref<10240x64xf32, #tpu.memory_space<vmem_shared>> -> memref<10240x64xf32, #tpu.memory_space<vmem_shared>>
        tpu.wait_indirect_dma semaphore(%run_scoped3A_101 : memref<!tpu.dma_semaphore, #tpu.memory_space<semaphore_mem>>) src(%dma_wait3A_113 : memref<100x64xf32, #tpu.memory_space<vmem>>) dst(%dma_wait3A_119 : memref<10240x64xf32, #tpu.memory_space<vmem_shared>>)
        tpu.yield
      }) : () -> ()
      %mul3A_57 = arith.constant 4 : i32
      %mul3A_58 = arith.muli %add3A_43, %mul3A_57 : i32
      %add3A_59 = arith.constant 1 : i32
      %add3A_60 = arith.addi %mul3A_58, %add3A_59 : i32
      "tpu.region"() ({
        %run_scoped3A_101 = tpu.sem_alloc : memref<!tpu.dma_semaphore, #tpu.memory_space<semaphore_mem>>
        %dma_start3A_102 = arith.constant 100 : i32
        %dma_start3A_103 = arith.constant 0 : i32
        %dma_start3A_104 = tpu.memref_slice %arg9[%dma_start3A_102, %dma_start3A_103] : memref<400x64xf32, #tpu.memory_space<vmem>> -> memref<100x64xf32, #tpu.memory_space<vmem>>
        %dma_start3A_105 = arith.constant 0 : i32
        %dma_start3A_106 = tpu.memref_slice %arg8[%add3A_60, %dma_start3A_105] : memref<100x100xi32, #tpu.memory_space<vmem>> -> memref<1x100xi32, #tpu.memory_space<vmem>>
        %dma_start3A_107 = tpu.memref_squeeze %dma_start3A_106 : memref<1x100xi32, #tpu.memory_space<vmem>> -> memref<100xi32, #tpu.memory_space<vmem>>
        %dma_start3A_108 = arith.constant 0 : i32
        %dma_start3A_109 = arith.constant 0 : i32
        %dma_start3A_110 = tpu.memref_slice %arg11[%dma_start3A_108, %dma_start3A_109] : memref<10240x64xf32, #tpu.memory_space<vmem_shared>> -> memref<10240x64xf32, #tpu.memory_space<vmem_shared>>
        tpu.enqueue_indirect_dma source(%dma_start3A_104 : memref<100x64xf32, #tpu.memory_space<vmem>>) target(%dma_start3A_110 : memref<10240x64xf32, #tpu.memory_space<vmem_shared>>) offsets(%dma_start3A_107 : memref<100xi32, #tpu.memory_space<vmem>>) semaphore(%run_scoped3A_101 : memref<!tpu.dma_semaphore, #tpu.memory_space<semaphore_mem>>) {add = true}
        %dma_wait3A_111 = arith.constant 100 : i32
        %dma_wait3A_112 = arith.constant 0 : i32
        %dma_wait3A_113 = tpu.memref_slice %arg9[%dma_wait3A_111, %dma_wait3A_112] : memref<400x64xf32, #tpu.memory_space<vmem>> -> memref<100x64xf32, #tpu.memory_space<vmem>>
        %dma_wait3A_114 = arith.constant 0 : i32
        %dma_wait3A_115 = tpu.memref_slice %arg8[%add3A_60, %dma_wait3A_114] : memref<100x100xi32, #tpu.memory_space<vmem>> -> memref<1x100xi32, #tpu.memory_space<vmem>>
        %dma_wait3A_116 = tpu.memref_squeeze %dma_wait3A_115 : memref<1x100xi32, #tpu.memory_space<vmem>> -> memref<100xi32, #tpu.memory_space<vmem>>
        %dma_wait3A_117 = arith.constant 0 : i32
        %dma_wait3A_118 = arith.constant 0 : i32
        %dma_wait3A_119 = tpu.memref_slice %arg11[%dma_wait3A_117, %dma_wait3A_118] : memref<10240x64xf32, #tpu.memory_space<vmem_shared>> -> memref<10240x64xf32, #tpu.memory_space<vmem_shared>>
        tpu.wait_indirect_dma semaphore(%run_scoped3A_101 : memref<!tpu.dma_semaphore, #tpu.memory_space<semaphore_mem>>) src(%dma_wait3A_113 : memref<100x64xf32, #tpu.memory_space<vmem>>) dst(%dma_wait3A_119 : memref<10240x64xf32, #tpu.memory_space<vmem_shared>>)
        tpu.yield
      }) : () -> ()
      %mul3A_61 = arith.constant 4 : i32
      %mul3A_62 = arith.muli %add3A_43, %mul3A_61 : i32
      %add3A_63 = arith.constant 2 : i32
      %add3A_64 = arith.addi %mul3A_62, %add3A_63 : i32
      "tpu.region"() ({
        %run_scoped3A_101 = tpu.sem_alloc : memref<!tpu.dma_semaphore, #tpu.memory_space<semaphore_mem>>
        %dma_start3A_102 = arith.constant 200 : i32
        %dma_start3A_103 = arith.constant 0 : i32
        %dma_start3A_104 = tpu.memref_slice %arg9[%dma_start3A_102, %dma_start3A_103] : memref<400x64xf32, #tpu.memory_space<vmem>> -> memref<100x64xf32, #tpu.memory_space<vmem>>
        %dma_start3A_105 = arith.constant 0 : i32
        %dma_start3A_106 = tpu.memref_slice %arg8[%add3A_64, %dma_start3A_105] : memref<100x100xi32, #tpu.memory_space<vmem>> -> memref<1x100xi32, #tpu.memory_space<vmem>>
        %dma_start3A_107 = tpu.memref_squeeze %dma_start3A_106 : memref<1x100xi32, #tpu.memory_space<vmem>> -> memref<100xi32, #tpu.memory_space<vmem>>
        %dma_start3A_108 = arith.constant 0 : i32
        %dma_start3A_109 = arith.constant 0 : i32
        %dma_start3A_110 = tpu.memref_slice %arg11[%dma_start3A_108, %dma_start3A_109] : memref<10240x64xf32, #tpu.memory_space<vmem_shared>> -> memref<10240x64xf32, #tpu.memory_space<vmem_shared>>
        tpu.enqueue_indirect_dma source(%dma_start3A_104 : memref<100x64xf32, #tpu.memory_space<vmem>>) target(%dma_start3A_110 : memref<10240x64xf32, #tpu.memory_space<vmem_shared>>) offsets(%dma_start3A_107 : memref<100xi32, #tpu.memory_space<vmem>>) semaphore(%run_scoped3A_101 : memref<!tpu.dma_semaphore, #tpu.memory_space<semaphore_mem>>) {add = true}
        %dma_wait3A_111 = arith.constant 200 : i32
        %dma_wait3A_112 = arith.constant 0 : i32
        %dma_wait3A_113 = tpu.memref_slice %arg9[%dma_wait3A_111, %dma_wait3A_112] : memref<400x64xf32, #tpu.memory_space<vmem>> -> memref<100x64xf32, #tpu.memory_space<vmem>>
        %dma_wait3A_114 = arith.constant 0 : i32
        %dma_wait3A_115 = tpu.memref_slice %arg8[%add3A_64, %dma_wait3A_114] : memref<100x100xi32, #tpu.memory_space<vmem>> -> memref<1x100xi32, #tpu.memory_space<vmem>>
        %dma_wait3A_116 = tpu.memref_squeeze %dma_wait3A_115 : memref<1x100xi32, #tpu.memory_space<vmem>> -> memref<100xi32, #tpu.memory_space<vmem>>
        %dma_wait3A_117 = arith.constant 0 : i32
        %dma_wait3A_118 = arith.constant 0 : i32
        %dma_wait3A_119 = tpu.memref_slice %arg11[%dma_wait3A_117, %dma_wait3A_118] : memref<10240x64xf32, #tpu.memory_space<vmem_shared>> -> memref<10240x64xf32, #tpu.memory_space<vmem_shared>>
        tpu.wait_indirect_dma semaphore(%run_scoped3A_101 : memref<!tpu.dma_semaphore, #tpu.memory_space<semaphore_mem>>) src(%dma_wait3A_113 : memref<100x64xf32, #tpu.memory_space<vmem>>) dst(%dma_wait3A_119 : memref<10240x64xf32, #tpu.memory_space<vmem_shared>>)
        tpu.yield
      }) : () -> ()
      %mul3A_65 = arith.constant 4 : i32
      %mul3A_66 = arith.muli %add3A_43, %mul3A_65 : i32
      %add3A_67 = arith.constant 3 : i32
      %add3A_68 = arith.addi %mul3A_66, %add3A_67 : i32
      "tpu.region"() ({
        %run_scoped3A_101 = tpu.sem_alloc : memref<!tpu.dma_semaphore, #tpu.memory_space<semaphore_mem>>
        %dma_start3A_102 = arith.constant 300 : i32
        %dma_start3A_103 = arith.constant 0 : i32
        %dma_start3A_104 = tpu.memref_slice %arg9[%dma_start3A_102, %dma_start3A_103] : memref<400x64xf32, #tpu.memory_space<vmem>> -> memref<100x64xf32, #tpu.memory_space<vmem>>
        %dma_start3A_105 = arith.constant 0 : i32
        %dma_start3A_106 = tpu.memref_slice %arg8[%add3A_68, %dma_start3A_105] : memref<100x100xi32, #tpu.memory_space<vmem>> -> memref<1x100xi32, #tpu.memory_space<vmem>>
        %dma_start3A_107 = tpu.memref_squeeze %dma_start3A_106 : memref<1x100xi32, #tpu.memory_space<vmem>> -> memref<100xi32, #tpu.memory_space<vmem>>
        %dma_start3A_108 = arith.constant 0 : i32
        %dma_start3A_109 = arith.constant 0 : i32
        %dma_start3A_110 = tpu.memref_slice %arg11[%dma_start3A_108, %dma_start3A_109] : memref<10240x64xf32, #tpu.memory_space<vmem_shared>> -> memref<10240x64xf32, #tpu.memory_space<vmem_shared>>
        tpu.enqueue_indirect_dma source(%dma_start3A_104 : memref<100x64xf32, #tpu.memory_space<vmem>>) target(%dma_start3A_110 : memref<10240x64xf32, #tpu.memory_space<vmem_shared>>) offsets(%dma_start3A_107 : memref<100xi32, #tpu.memory_space<vmem>>) semaphore(%run_scoped3A_101 : memref<!tpu.dma_semaphore, #tpu.memory_space<semaphore_mem>>) {add = true}
        %dma_wait3A_111 = arith.constant 300 : i32
        %dma_wait3A_112 = arith.constant 0 : i32
        %dma_wait3A_113 = tpu.memref_slice %arg9[%dma_wait3A_111, %dma_wait3A_112] : memref<400x64xf32, #tpu.memory_space<vmem>> -> memref<100x64xf32, #tpu.memory_space<vmem>>
        %dma_wait3A_114 = arith.constant 0 : i32
        %dma_wait3A_115 = tpu.memref_slice %arg8[%add3A_68, %dma_wait3A_114] : memref<100x100xi32, #tpu.memory_space<vmem>> -> memref<1x100xi32, #tpu.memory_space<vmem>>
        %dma_wait3A_116 = tpu.memref_squeeze %dma_wait3A_115 : memref<1x100xi32, #tpu.memory_space<vmem>> -> memref<100xi32, #tpu.memory_space<vmem>>
        %dma_wait3A_117 = arith.constant 0 : i32
        %dma_wait3A_118 = arith.constant 0 : i32
        %dma_wait3A_119 = tpu.memref_slice %arg11[%dma_wait3A_117, %dma_wait3A_118] : memref<10240x64xf32, #tpu.memory_space<vmem_shared>> -> memref<10240x64xf32, #tpu.memory_space<vmem_shared>>
        tpu.wait_indirect_dma semaphore(%run_scoped3A_101 : memref<!tpu.dma_semaphore, #tpu.memory_space<semaphore_mem>>) src(%dma_wait3A_113 : memref<100x64xf32, #tpu.memory_space<vmem>>) dst(%dma_wait3A_119 : memref<10240x64xf32, #tpu.memory_space<vmem_shared>>)
        tpu.yield
      }) : () -> ()
      %mul3A_69 = arith.constant 2 : i32
      %mul3A_70 = arith.muli %scan3A_40, %mul3A_69 : i32
      %add3A_71 = arith.constant 1 : i32
      %add3A_72 = arith.addi %mul3A_70, %add3A_71 : i32
      %dma_wait3A_73 = arith.constant 0 : i32
      %dma_wait3A_74 = tpu.memref_slice %arg7[%dma_wait3A_73] : memref<10000xi32, #tpu.memory_space<vmem>> -> memref<400xi32, #tpu.memory_space<vmem>>
      %dma_wait3A_75 = arith.constant 0 : i32
      %dma_wait3A_76 = arith.constant 0 : i32
      %dma_wait3A_77 = tpu.memref_slice %arg2[%dma_wait3A_75, %dma_wait3A_76] : memref<160000x64xf32, #tpu.memory_space<hbm>> -> memref<160000x64xf32, #tpu.memory_space<hbm>>
      tpu.wait_indirect_dma semaphore(%arg13 : memref<!tpu.dma_semaphore, #tpu.memory_space<semaphore_mem>>) src(%dma_wait3A_77 : memref<160000x64xf32, #tpu.memory_space<hbm>>) dst(%arg10 : memref<400x64xf32, #tpu.memory_space<vmem>>)
      %add3A_78 = arith.constant 1 : i32
      %add3A_79 = arith.addi %add3A_72, %add3A_78 : i32
      %lt3A_80 = arith.constant 25 : i32
      %lt3A_81 = arith.cmpi slt, %add3A_79, %lt3A_80 : i32
      %convert_element_type3A_82 = arith.extui %lt3A_81 : i1 to i32
      %cond3A_83 = arith.constant 0 : i32
      %cond3A_84 = arith.cmpi ne, %convert_element_type3A_82, %cond3A_83 : i32
      scf.if %cond3A_84 {
        %mul3A_101 = arith.constant 400 : i32
        %mul3A_102 = arith.muli %add3A_79, %mul3A_101 : i32
        %dma_start3A_103 = tpu.memref_slice %arg7[%mul3A_102] : memref<10000xi32, #tpu.memory_space<vmem>> -> memref<400xi32, #tpu.memory_space<vmem>>
        %dma_start3A_104 = arith.constant 0 : i32
        %dma_start3A_105 = arith.constant 0 : i32
        %dma_start3A_106 = tpu.memref_slice %arg2[%dma_start3A_104, %dma_start3A_105] : memref<160000x64xf32, #tpu.memory_space<hbm>> -> memref<160000x64xf32, #tpu.memory_space<hbm>>
        tpu.enqueue_indirect_dma source(%dma_start3A_106 : memref<160000x64xf32, #tpu.memory_space<hbm>>) target(%arg9 : memref<400x64xf32, #tpu.memory_space<vmem>>) offsets(%dma_start3A_103 : memref<400xi32, #tpu.memory_space<vmem>>) semaphore(%arg12 : memref<!tpu.dma_semaphore, #tpu.memory_space<semaphore_mem>>)
      } else {
      }
      %mul3A_85 = arith.constant 4 : i32
      %mul3A_86 = arith.muli %add3A_72, %mul3A_85 : i32
      %add3A_87 = arith.constant 0 : i32
      %add3A_88 = arith.addi %mul3A_86, %add3A_87 : i32
      "tpu.region"() ({
        %run_scoped3A_101 = tpu.sem_alloc : memref<!tpu.dma_semaphore, #tpu.memory_space<semaphore_mem>>
        %dma_start3A_102 = arith.constant 0 : i32
        %dma_start3A_103 = arith.constant 0 : i32
        %dma_start3A_104 = tpu.memref_slice %arg10[%dma_start3A_102, %dma_start3A_103] : memref<400x64xf32, #tpu.memory_space<vmem>> -> memref<100x64xf32, #tpu.memory_space<vmem>>
        %dma_start3A_105 = arith.constant 0 : i32
        %dma_start3A_106 = tpu.memref_slice %arg8[%add3A_88, %dma_start3A_105] : memref<100x100xi32, #tpu.memory_space<vmem>> -> memref<1x100xi32, #tpu.memory_space<vmem>>
        %dma_start3A_107 = tpu.memref_squeeze %dma_start3A_106 : memref<1x100xi32, #tpu.memory_space<vmem>> -> memref<100xi32, #tpu.memory_space<vmem>>
        %dma_start3A_108 = arith.constant 0 : i32
        %dma_start3A_109 = arith.constant 0 : i32
        %dma_start3A_110 = tpu.memref_slice %arg11[%dma_start3A_108, %dma_start3A_109] : memref<10240x64xf32, #tpu.memory_space<vmem_shared>> -> memref<10240x64xf32, #tpu.memory_space<vmem_shared>>
        tpu.enqueue_indirect_dma source(%dma_start3A_104 : memref<100x64xf32, #tpu.memory_space<vmem>>) target(%dma_start3A_110 : memref<10240x64xf32, #tpu.memory_space<vmem_shared>>) offsets(%dma_start3A_107 : memref<100xi32, #tpu.memory_space<vmem>>) semaphore(%run_scoped3A_101 : memref<!tpu.dma_semaphore, #tpu.memory_space<semaphore_mem>>) {add = true}
        %dma_wait3A_111 = arith.constant 0 : i32
        %dma_wait3A_112 = arith.constant 0 : i32
        %dma_wait3A_113 = tpu.memref_slice %arg10[%dma_wait3A_111, %dma_wait3A_112] : memref<400x64xf32, #tpu.memory_space<vmem>> -> memref<100x64xf32, #tpu.memory_space<vmem>>
        %dma_wait3A_114 = arith.constant 0 : i32
        %dma_wait3A_115 = tpu.memref_slice %arg8[%add3A_88, %dma_wait3A_114] : memref<100x100xi32, #tpu.memory_space<vmem>> -> memref<1x100xi32, #tpu.memory_space<vmem>>
        %dma_wait3A_116 = tpu.memref_squeeze %dma_wait3A_115 : memref<1x100xi32, #tpu.memory_space<vmem>> -> memref<100xi32, #tpu.memory_space<vmem>>
        %dma_wait3A_117 = arith.constant 0 : i32
        %dma_wait3A_118 = arith.constant 0 : i32
        %dma_wait3A_119 = tpu.memref_slice %arg11[%dma_wait3A_117, %dma_wait3A_118] : memref<10240x64xf32, #tpu.memory_space<vmem_shared>> -> memref<10240x64xf32, #tpu.memory_space<vmem_shared>>
        tpu.wait_indirect_dma semaphore(%run_scoped3A_101 : memref<!tpu.dma_semaphore, #tpu.memory_space<semaphore_mem>>) src(%dma_wait3A_113 : memref<100x64xf32, #tpu.memory_space<vmem>>) dst(%dma_wait3A_119 : memref<10240x64xf32, #tpu.memory_space<vmem_shared>>)
        tpu.yield
      }) : () -> ()
      %mul3A_89 = arith.constant 4 : i32
      %mul3A_90 = arith.muli %add3A_72, %mul3A_89 : i32
      %add3A_91 = arith.constant 1 : i32
      %add3A_92 = arith.addi %mul3A_90, %add3A_91 : i32
      "tpu.region"() ({
        %run_scoped3A_101 = tpu.sem_alloc : memref<!tpu.dma_semaphore, #tpu.memory_space<semaphore_mem>>
        %dma_start3A_102 = arith.constant 100 : i32
        %dma_start3A_103 = arith.constant 0 : i32
        %dma_start3A_104 = tpu.memref_slice %arg10[%dma_start3A_102, %dma_start3A_103] : memref<400x64xf32, #tpu.memory_space<vmem>> -> memref<100x64xf32, #tpu.memory_space<vmem>>
        %dma_start3A_105 = arith.constant 0 : i32
        %dma_start3A_106 = tpu.memref_slice %arg8[%add3A_92, %dma_start3A_105] : memref<100x100xi32, #tpu.memory_space<vmem>> -> memref<1x100xi32, #tpu.memory_space<vmem>>
        %dma_start3A_107 = tpu.memref_squeeze %dma_start3A_106 : memref<1x100xi32, #tpu.memory_space<vmem>> -> memref<100xi32, #tpu.memory_space<vmem>>
        %dma_start3A_108 = arith.constant 0 : i32
        %dma_start3A_109 = arith.constant 0 : i32
        %dma_start3A_110 = tpu.memref_slice %arg11[%dma_start3A_108, %dma_start3A_109] : memref<10240x64xf32, #tpu.memory_space<vmem_shared>> -> memref<10240x64xf32, #tpu.memory_space<vmem_shared>>
        tpu.enqueue_indirect_dma source(%dma_start3A_104 : memref<100x64xf32, #tpu.memory_space<vmem>>) target(%dma_start3A_110 : memref<10240x64xf32, #tpu.memory_space<vmem_shared>>) offsets(%dma_start3A_107 : memref<100xi32, #tpu.memory_space<vmem>>) semaphore(%run_scoped3A_101 : memref<!tpu.dma_semaphore, #tpu.memory_space<semaphore_mem>>) {add = true}
        %dma_wait3A_111 = arith.constant 100 : i32
        %dma_wait3A_112 = arith.constant 0 : i32
        %dma_wait3A_113 = tpu.memref_slice %arg10[%dma_wait3A_111, %dma_wait3A_112] : memref<400x64xf32, #tpu.memory_space<vmem>> -> memref<100x64xf32, #tpu.memory_space<vmem>>
        %dma_wait3A_114 = arith.constant 0 : i32
        %dma_wait3A_115 = tpu.memref_slice %arg8[%add3A_92, %dma_wait3A_114] : memref<100x100xi32, #tpu.memory_space<vmem>> -> memref<1x100xi32, #tpu.memory_space<vmem>>
        %dma_wait3A_116 = tpu.memref_squeeze %dma_wait3A_115 : memref<1x100xi32, #tpu.memory_space<vmem>> -> memref<100xi32, #tpu.memory_space<vmem>>
        %dma_wait3A_117 = arith.constant 0 : i32
        %dma_wait3A_118 = arith.constant 0 : i32
        %dma_wait3A_119 = tpu.memref_slice %arg11[%dma_wait3A_117, %dma_wait3A_118] : memref<10240x64xf32, #tpu.memory_space<vmem_shared>> -> memref<10240x64xf32, #tpu.memory_space<vmem_shared>>
        tpu.wait_indirect_dma semaphore(%run_scoped3A_101 : memref<!tpu.dma_semaphore, #tpu.memory_space<semaphore_mem>>) src(%dma_wait3A_113 : memref<100x64xf32, #tpu.memory_space<vmem>>) dst(%dma_wait3A_119 : memref<10240x64xf32, #tpu.memory_space<vmem_shared>>)
        tpu.yield
      }) : () -> ()
      %mul3A_93 = arith.constant 4 : i32
      %mul3A_94 = arith.muli %add3A_72, %mul3A_93 : i32
      %add3A_95 = arith.constant 2 : i32
      %add3A_96 = arith.addi %mul3A_94, %add3A_95 : i32
      "tpu.region"() ({
        %run_scoped3A_101 = tpu.sem_alloc : memref<!tpu.dma_semaphore, #tpu.memory_space<semaphore_mem>>
        %dma_start3A_102 = arith.constant 200 : i32
        %dma_start3A_103 = arith.constant 0 : i32
        %dma_start3A_104 = tpu.memref_slice %arg10[%dma_start3A_102, %dma_start3A_103] : memref<400x64xf32, #tpu.memory_space<vmem>> -> memref<100x64xf32, #tpu.memory_space<vmem>>
        %dma_start3A_105 = arith.constant 0 : i32
        %dma_start3A_106 = tpu.memref_slice %arg8[%add3A_96, %dma_start3A_105] : memref<100x100xi32, #tpu.memory_space<vmem>> -> memref<1x100xi32, #tpu.memory_space<vmem>>
        %dma_start3A_107 = tpu.memref_squeeze %dma_start3A_106 : memref<1x100xi32, #tpu.memory_space<vmem>> -> memref<100xi32, #tpu.memory_space<vmem>>
        %dma_start3A_108 = arith.constant 0 : i32
        %dma_start3A_109 = arith.constant 0 : i32
        %dma_start3A_110 = tpu.memref_slice %arg11[%dma_start3A_108, %dma_start3A_109] : memref<10240x64xf32, #tpu.memory_space<vmem_shared>> -> memref<10240x64xf32, #tpu.memory_space<vmem_shared>>
        tpu.enqueue_indirect_dma source(%dma_start3A_104 : memref<100x64xf32, #tpu.memory_space<vmem>>) target(%dma_start3A_110 : memref<10240x64xf32, #tpu.memory_space<vmem_shared>>) offsets(%dma_start3A_107 : memref<100xi32, #tpu.memory_space<vmem>>) semaphore(%run_scoped3A_101 : memref<!tpu.dma_semaphore, #tpu.memory_space<semaphore_mem>>) {add = true}
        %dma_wait3A_111 = arith.constant 200 : i32
        %dma_wait3A_112 = arith.constant 0 : i32
        %dma_wait3A_113 = tpu.memref_slice %arg10[%dma_wait3A_111, %dma_wait3A_112] : memref<400x64xf32, #tpu.memory_space<vmem>> -> memref<100x64xf32, #tpu.memory_space<vmem>>
        %dma_wait3A_114 = arith.constant 0 : i32
        %dma_wait3A_115 = tpu.memref_slice %arg8[%add3A_96, %dma_wait3A_114] : memref<100x100xi32, #tpu.memory_space<vmem>> -> memref<1x100xi32, #tpu.memory_space<vmem>>
        %dma_wait3A_116 = tpu.memref_squeeze %dma_wait3A_115 : memref<1x100xi32, #tpu.memory_space<vmem>> -> memref<100xi32, #tpu.memory_space<vmem>>
        %dma_wait3A_117 = arith.constant 0 : i32
        %dma_wait3A_118 = arith.constant 0 : i32
        %dma_wait3A_119 = tpu.memref_slice %arg11[%dma_wait3A_117, %dma_wait3A_118] : memref<10240x64xf32, #tpu.memory_space<vmem_shared>> -> memref<10240x64xf32, #tpu.memory_space<vmem_shared>>
        tpu.wait_indirect_dma semaphore(%run_scoped3A_101 : memref<!tpu.dma_semaphore, #tpu.memory_space<semaphore_mem>>) src(%dma_wait3A_113 : memref<100x64xf32, #tpu.memory_space<vmem>>) dst(%dma_wait3A_119 : memref<10240x64xf32, #tpu.memory_space<vmem_shared>>)
        tpu.yield
      }) : () -> ()
      %mul3A_97 = arith.constant 4 : i32
      %mul3A_98 = arith.muli %add3A_72, %mul3A_97 : i32
      %add3A_99 = arith.constant 3 : i32
      %add3A_100 = arith.addi %mul3A_98, %add3A_99 : i32
      "tpu.region"() ({
        %run_scoped3A_101 = tpu.sem_alloc : memref<!tpu.dma_semaphore, #tpu.memory_space<semaphore_mem>>
        %dma_start3A_102 = arith.constant 300 : i32
        %dma_start3A_103 = arith.constant 0 : i32
        %dma_start3A_104 = tpu.memref_slice %arg10[%dma_start3A_102, %dma_start3A_103] : memref<400x64xf32, #tpu.memory_space<vmem>> -> memref<100x64xf32, #tpu.memory_space<vmem>>
        %dma_start3A_105 = arith.constant 0 : i32
        %dma_start3A_106 = tpu.memref_slice %arg8[%add3A_100, %dma_start3A_105] : memref<100x100xi32, #tpu.memory_space<vmem>> -> memref<1x100xi32, #tpu.memory_space<vmem>>
        %dma_start3A_107 = tpu.memref_squeeze %dma_start3A_106 : memref<1x100xi32, #tpu.memory_space<vmem>> -> memref<100xi32, #tpu.memory_space<vmem>>
        %dma_start3A_108 = arith.constant 0 : i32
        %dma_start3A_109 = arith.constant 0 : i32
        %dma_start3A_110 = tpu.memref_slice %arg11[%dma_start3A_108, %dma_start3A_109] : memref<10240x64xf32, #tpu.memory_space<vmem_shared>> -> memref<10240x64xf32, #tpu.memory_space<vmem_shared>>
        tpu.enqueue_indirect_dma source(%dma_start3A_104 : memref<100x64xf32, #tpu.memory_space<vmem>>) target(%dma_start3A_110 : memref<10240x64xf32, #tpu.memory_space<vmem_shared>>) offsets(%dma_start3A_107 : memref<100xi32, #tpu.memory_space<vmem>>) semaphore(%run_scoped3A_101 : memref<!tpu.dma_semaphore, #tpu.memory_space<semaphore_mem>>) {add = true}
        %dma_wait3A_111 = arith.constant 300 : i32
        %dma_wait3A_112 = arith.constant 0 : i32
        %dma_wait3A_113 = tpu.memref_slice %arg10[%dma_wait3A_111, %dma_wait3A_112] : memref<400x64xf32, #tpu.memory_space<vmem>> -> memref<100x64xf32, #tpu.memory_space<vmem>>
        %dma_wait3A_114 = arith.constant 0 : i32
        %dma_wait3A_115 = tpu.memref_slice %arg8[%add3A_100, %dma_wait3A_114] : memref<100x100xi32, #tpu.memory_space<vmem>> -> memref<1x100xi32, #tpu.memory_space<vmem>>
        %dma_wait3A_116 = tpu.memref_squeeze %dma_wait3A_115 : memref<1x100xi32, #tpu.memory_space<vmem>> -> memref<100xi32, #tpu.memory_space<vmem>>
        %dma_wait3A_117 = arith.constant 0 : i32
        %dma_wait3A_118 = arith.constant 0 : i32
        %dma_wait3A_119 = tpu.memref_slice %arg11[%dma_wait3A_117, %dma_wait3A_118] : memref<10240x64xf32, #tpu.memory_space<vmem_shared>> -> memref<10240x64xf32, #tpu.memory_space<vmem_shared>>
        tpu.wait_indirect_dma semaphore(%run_scoped3A_101 : memref<!tpu.dma_semaphore, #tpu.memory_space<semaphore_mem>>) src(%dma_wait3A_113 : memref<100x64xf32, #tpu.memory_space<vmem>>) dst(%dma_wait3A_119 : memref<10240x64xf32, #tpu.memory_space<vmem_shared>>)
        tpu.yield
      }) : () -> ()
    }
    %scan3A_29 = arith.constant 12 : i32
    %dma_wait3A_30 = arith.constant 0 : i32
    %dma_wait3A_31 = tpu.memref_slice %arg7[%dma_wait3A_30] : memref<10000xi32, #tpu.memory_space<vmem>> -> memref<400xi32, #tpu.memory_space<vmem>>
    %dma_wait3A_32 = arith.constant 0 : i32
    %dma_wait3A_33 = arith.constant 0 : i32
    %dma_wait3A_34 = tpu.memref_slice %arg2[%dma_wait3A_32, %dma_wait3A_33] : memref<160000x64xf32, #tpu.memory_space<hbm>> -> memref<160000x64xf32, #tpu.memory_space<hbm>>
    tpu.wait_indirect_dma semaphore(%arg12 : memref<!tpu.dma_semaphore, #tpu.memory_space<semaphore_mem>>) src(%dma_wait3A_34 : memref<160000x64xf32, #tpu.memory_space<hbm>>) dst(%arg9 : memref<400x64xf32, #tpu.memory_space<vmem>>)
    %run_scoped3A_35 = arith.constant 96 : i32
    "tpu.region"() ({
      %run_scoped3A_40 = tpu.sem_alloc : memref<!tpu.dma_semaphore, #tpu.memory_space<semaphore_mem>>
      %dma_start3A_41 = arith.constant 0 : i32
      %dma_start3A_42 = arith.constant 0 : i32
      %dma_start3A_43 = tpu.memref_slice %arg9[%dma_start3A_41, %dma_start3A_42] : memref<400x64xf32, #tpu.memory_space<vmem>> -> memref<100x64xf32, #tpu.memory_space<vmem>>
      %dma_start3A_44 = arith.constant 0 : i32
      %dma_start3A_45 = tpu.memref_slice %arg8[%run_scoped3A_35, %dma_start3A_44] : memref<100x100xi32, #tpu.memory_space<vmem>> -> memref<1x100xi32, #tpu.memory_space<vmem>>
      %dma_start3A_46 = tpu.memref_squeeze %dma_start3A_45 : memref<1x100xi32, #tpu.memory_space<vmem>> -> memref<100xi32, #tpu.memory_space<vmem>>
      %dma_start3A_47 = arith.constant 0 : i32
      %dma_start3A_48 = arith.constant 0 : i32
      %dma_start3A_49 = tpu.memref_slice %arg11[%dma_start3A_47, %dma_start3A_48] : memref<10240x64xf32, #tpu.memory_space<vmem_shared>> -> memref<10240x64xf32, #tpu.memory_space<vmem_shared>>
      tpu.enqueue_indirect_dma source(%dma_start3A_43 : memref<100x64xf32, #tpu.memory_space<vmem>>) target(%dma_start3A_49 : memref<10240x64xf32, #tpu.memory_space<vmem_shared>>) offsets(%dma_start3A_46 : memref<100xi32, #tpu.memory_space<vmem>>) semaphore(%run_scoped3A_40 : memref<!tpu.dma_semaphore, #tpu.memory_space<semaphore_mem>>) {add = true}
      %dma_wait3A_50 = arith.constant 0 : i32
      %dma_wait3A_51 = arith.constant 0 : i32
      %dma_wait3A_52 = tpu.memref_slice %arg9[%dma_wait3A_50, %dma_wait3A_51] : memref<400x64xf32, #tpu.memory_space<vmem>> -> memref<100x64xf32, #tpu.memory_space<vmem>>
      %dma_wait3A_53 = arith.constant 0 : i32
      %dma_wait3A_54 = tpu.memref_slice %arg8[%run_scoped3A_35, %dma_wait3A_53] : memref<100x100xi32, #tpu.memory_space<vmem>> -> memref<1x100xi32, #tpu.memory_space<vmem>>
      %dma_wait3A_55 = tpu.memref_squeeze %dma_wait3A_54 : memref<1x100xi32, #tpu.memory_space<vmem>> -> memref<100xi32, #tpu.memory_space<vmem>>
      %dma_wait3A_56 = arith.constant 0 : i32
      %dma_wait3A_57 = arith.constant 0 : i32
      %dma_wait3A_58 = tpu.memref_slice %arg11[%dma_wait3A_56, %dma_wait3A_57] : memref<10240x64xf32, #tpu.memory_space<vmem_shared>> -> memref<10240x64xf32, #tpu.memory_space<vmem_shared>>
      tpu.wait_indirect_dma semaphore(%run_scoped3A_40 : memref<!tpu.dma_semaphore, #tpu.memory_space<semaphore_mem>>) src(%dma_wait3A_52 : memref<100x64xf32, #tpu.memory_space<vmem>>) dst(%dma_wait3A_58 : memref<10240x64xf32, #tpu.memory_space<vmem_shared>>)
      tpu.yield
    }) : () -> ()
    %run_scoped3A_36 = arith.constant 97 : i32
    "tpu.region"() ({
      %run_scoped3A_40 = tpu.sem_alloc : memref<!tpu.dma_semaphore, #tpu.memory_space<semaphore_mem>>
      %dma_start3A_41 = arith.constant 100 : i32
      %dma_start3A_42 = arith.constant 0 : i32
      %dma_start3A_43 = tpu.memref_slice %arg9[%dma_start3A_41, %dma_start3A_42] : memref<400x64xf32, #tpu.memory_space<vmem>> -> memref<100x64xf32, #tpu.memory_space<vmem>>
      %dma_start3A_44 = arith.constant 0 : i32
      %dma_start3A_45 = tpu.memref_slice %arg8[%run_scoped3A_36, %dma_start3A_44] : memref<100x100xi32, #tpu.memory_space<vmem>> -> memref<1x100xi32, #tpu.memory_space<vmem>>
      %dma_start3A_46 = tpu.memref_squeeze %dma_start3A_45 : memref<1x100xi32, #tpu.memory_space<vmem>> -> memref<100xi32, #tpu.memory_space<vmem>>
      %dma_start3A_47 = arith.constant 0 : i32
      %dma_start3A_48 = arith.constant 0 : i32
      %dma_start3A_49 = tpu.memref_slice %arg11[%dma_start3A_47, %dma_start3A_48] : memref<10240x64xf32, #tpu.memory_space<vmem_shared>> -> memref<10240x64xf32, #tpu.memory_space<vmem_shared>>
      tpu.enqueue_indirect_dma source(%dma_start3A_43 : memref<100x64xf32, #tpu.memory_space<vmem>>) target(%dma_start3A_49 : memref<10240x64xf32, #tpu.memory_space<vmem_shared>>) offsets(%dma_start3A_46 : memref<100xi32, #tpu.memory_space<vmem>>) semaphore(%run_scoped3A_40 : memref<!tpu.dma_semaphore, #tpu.memory_space<semaphore_mem>>) {add = true}
      %dma_wait3A_50 = arith.constant 100 : i32
      %dma_wait3A_51 = arith.constant 0 : i32
      %dma_wait3A_52 = tpu.memref_slice %arg9[%dma_wait3A_50, %dma_wait3A_51] : memref<400x64xf32, #tpu.memory_space<vmem>> -> memref<100x64xf32, #tpu.memory_space<vmem>>
      %dma_wait3A_53 = arith.constant 0 : i32
      %dma_wait3A_54 = tpu.memref_slice %arg8[%run_scoped3A_36, %dma_wait3A_53] : memref<100x100xi32, #tpu.memory_space<vmem>> -> memref<1x100xi32, #tpu.memory_space<vmem>>
      %dma_wait3A_55 = tpu.memref_squeeze %dma_wait3A_54 : memref<1x100xi32, #tpu.memory_space<vmem>> -> memref<100xi32, #tpu.memory_space<vmem>>
      %dma_wait3A_56 = arith.constant 0 : i32
      %dma_wait3A_57 = arith.constant 0 : i32
      %dma_wait3A_58 = tpu.memref_slice %arg11[%dma_wait3A_56, %dma_wait3A_57] : memref<10240x64xf32, #tpu.memory_space<vmem_shared>> -> memref<10240x64xf32, #tpu.memory_space<vmem_shared>>
      tpu.wait_indirect_dma semaphore(%run_scoped3A_40 : memref<!tpu.dma_semaphore, #tpu.memory_space<semaphore_mem>>) src(%dma_wait3A_52 : memref<100x64xf32, #tpu.memory_space<vmem>>) dst(%dma_wait3A_58 : memref<10240x64xf32, #tpu.memory_space<vmem_shared>>)
      tpu.yield
    }) : () -> ()
    %run_scoped3A_37 = arith.constant 98 : i32
    "tpu.region"() ({
      %run_scoped3A_40 = tpu.sem_alloc : memref<!tpu.dma_semaphore, #tpu.memory_space<semaphore_mem>>
      %dma_start3A_41 = arith.constant 200 : i32
      %dma_start3A_42 = arith.constant 0 : i32
      %dma_start3A_43 = tpu.memref_slice %arg9[%dma_start3A_41, %dma_start3A_42] : memref<400x64xf32, #tpu.memory_space<vmem>> -> memref<100x64xf32, #tpu.memory_space<vmem>>
      %dma_start3A_44 = arith.constant 0 : i32
      %dma_start3A_45 = tpu.memref_slice %arg8[%run_scoped3A_37, %dma_start3A_44] : memref<100x100xi32, #tpu.memory_space<vmem>> -> memref<1x100xi32, #tpu.memory_space<vmem>>
      %dma_start3A_46 = tpu.memref_squeeze %dma_start3A_45 : memref<1x100xi32, #tpu.memory_space<vmem>> -> memref<100xi32, #tpu.memory_space<vmem>>
      %dma_start3A_47 = arith.constant 0 : i32
      %dma_start3A_48 = arith.constant 0 : i32
      %dma_start3A_49 = tpu.memref_slice %arg11[%dma_start3A_47, %dma_start3A_48] : memref<10240x64xf32, #tpu.memory_space<vmem_shared>> -> memref<10240x64xf32, #tpu.memory_space<vmem_shared>>
      tpu.enqueue_indirect_dma source(%dma_start3A_43 : memref<100x64xf32, #tpu.memory_space<vmem>>) target(%dma_start3A_49 : memref<10240x64xf32, #tpu.memory_space<vmem_shared>>) offsets(%dma_start3A_46 : memref<100xi32, #tpu.memory_space<vmem>>) semaphore(%run_scoped3A_40 : memref<!tpu.dma_semaphore, #tpu.memory_space<semaphore_mem>>) {add = true}
      %dma_wait3A_50 = arith.constant 200 : i32
      %dma_wait3A_51 = arith.constant 0 : i32
      %dma_wait3A_52 = tpu.memref_slice %arg9[%dma_wait3A_50, %dma_wait3A_51] : memref<400x64xf32, #tpu.memory_space<vmem>> -> memref<100x64xf32, #tpu.memory_space<vmem>>
      %dma_wait3A_53 = arith.constant 0 : i32
      %dma_wait3A_54 = tpu.memref_slice %arg8[%run_scoped3A_37, %dma_wait3A_53] : memref<100x100xi32, #tpu.memory_space<vmem>> -> memref<1x100xi32, #tpu.memory_space<vmem>>
      %dma_wait3A_55 = tpu.memref_squeeze %dma_wait3A_54 : memref<1x100xi32, #tpu.memory_space<vmem>> -> memref<100xi32, #tpu.memory_space<vmem>>
      %dma_wait3A_56 = arith.constant 0 : i32
      %dma_wait3A_57 = arith.constant 0 : i32
      %dma_wait3A_58 = tpu.memref_slice %arg11[%dma_wait3A_56, %dma_wait3A_57] : memref<10240x64xf32, #tpu.memory_space<vmem_shared>> -> memref<10240x64xf32, #tpu.memory_space<vmem_shared>>
      tpu.wait_indirect_dma semaphore(%run_scoped3A_40 : memref<!tpu.dma_semaphore, #tpu.memory_space<semaphore_mem>>) src(%dma_wait3A_52 : memref<100x64xf32, #tpu.memory_space<vmem>>) dst(%dma_wait3A_58 : memref<10240x64xf32, #tpu.memory_space<vmem_shared>>)
      tpu.yield
    }) : () -> ()
    %run_scoped3A_38 = arith.constant 99 : i32
    "tpu.region"() ({
      %run_scoped3A_40 = tpu.sem_alloc : memref<!tpu.dma_semaphore, #tpu.memory_space<semaphore_mem>>
      %dma_start3A_41 = arith.constant 300 : i32
      %dma_start3A_42 = arith.constant 0 : i32
      %dma_start3A_43 = tpu.memref_slice %arg9[%dma_start3A_41, %dma_start3A_42] : memref<400x64xf32, #tpu.memory_space<vmem>> -> memref<100x64xf32, #tpu.memory_space<vmem>>
      %dma_start3A_44 = arith.constant 0 : i32
      %dma_start3A_45 = tpu.memref_slice %arg8[%run_scoped3A_38, %dma_start3A_44] : memref<100x100xi32, #tpu.memory_space<vmem>> -> memref<1x100xi32, #tpu.memory_space<vmem>>
      %dma_start3A_46 = tpu.memref_squeeze %dma_start3A_45 : memref<1x100xi32, #tpu.memory_space<vmem>> -> memref<100xi32, #tpu.memory_space<vmem>>
      %dma_start3A_47 = arith.constant 0 : i32
      %dma_start3A_48 = arith.constant 0 : i32
      %dma_start3A_49 = tpu.memref_slice %arg11[%dma_start3A_47, %dma_start3A_48] : memref<10240x64xf32, #tpu.memory_space<vmem_shared>> -> memref<10240x64xf32, #tpu.memory_space<vmem_shared>>
      tpu.enqueue_indirect_dma source(%dma_start3A_43 : memref<100x64xf32, #tpu.memory_space<vmem>>) target(%dma_start3A_49 : memref<10240x64xf32, #tpu.memory_space<vmem_shared>>) offsets(%dma_start3A_46 : memref<100xi32, #tpu.memory_space<vmem>>) semaphore(%run_scoped3A_40 : memref<!tpu.dma_semaphore, #tpu.memory_space<semaphore_mem>>) {add = true}
      %dma_wait3A_50 = arith.constant 300 : i32
      %dma_wait3A_51 = arith.constant 0 : i32
      %dma_wait3A_52 = tpu.memref_slice %arg9[%dma_wait3A_50, %dma_wait3A_51] : memref<400x64xf32, #tpu.memory_space<vmem>> -> memref<100x64xf32, #tpu.memory_space<vmem>>
      %dma_wait3A_53 = arith.constant 0 : i32
      %dma_wait3A_54 = tpu.memref_slice %arg8[%run_scoped3A_38, %dma_wait3A_53] : memref<100x100xi32, #tpu.memory_space<vmem>> -> memref<1x100xi32, #tpu.memory_space<vmem>>
      %dma_wait3A_55 = tpu.memref_squeeze %dma_wait3A_54 : memref<1x100xi32, #tpu.memory_space<vmem>> -> memref<100xi32, #tpu.memory_space<vmem>>
      %dma_wait3A_56 = arith.constant 0 : i32
      %dma_wait3A_57 = arith.constant 0 : i32
      %dma_wait3A_58 = tpu.memref_slice %arg11[%dma_wait3A_56, %dma_wait3A_57] : memref<10240x64xf32, #tpu.memory_space<vmem_shared>> -> memref<10240x64xf32, #tpu.memory_space<vmem_shared>>
      tpu.wait_indirect_dma semaphore(%run_scoped3A_40 : memref<!tpu.dma_semaphore, #tpu.memory_space<semaphore_mem>>) src(%dma_wait3A_52 : memref<100x64xf32, #tpu.memory_space<vmem>>) dst(%dma_wait3A_58 : memref<10240x64xf32, #tpu.memory_space<vmem_shared>>)
      tpu.yield
    }) : () -> ()
    %barrier3A_39 = arith.constant 0 : index
    tpu.barrier barrier_id(%barrier3A_39)
    "tpu.region"() ({
      %run_scoped3A_40 = tpu.sem_alloc : memref<!tpu.dma_semaphore, #tpu.memory_space<semaphore_mem>>
      %dma_start3A_41 = arith.constant 0 : i32
      %dma_start3A_42 = tpu.memref_slice %arg6[%arg0, %mul3A_0, %dma_start3A_41] : memref<2x10240x64xf32, #tpu.memory_space<hbm>> -> memref<1x640x64xf32, #tpu.memory_space<hbm>>
      %dma_start3A_43 = tpu.memref_squeeze %dma_start3A_42 : memref<1x640x64xf32, #tpu.memory_space<hbm>> -> memref<640x64xf32, #tpu.memory_space<hbm>>
      %dma_start3A_44 = arith.constant 0 : i32
      %dma_start3A_45 = tpu.memref_slice %arg11[%mul3A_0, %dma_start3A_44] : memref<10240x64xf32, #tpu.memory_space<vmem_shared>> -> memref<640x64xf32, #tpu.memory_space<vmem_shared>>
      tpu.enqueue_dma source(%dma_start3A_45 : memref<640x64xf32, #tpu.memory_space<vmem_shared>>) target(%dma_start3A_43 : memref<640x64xf32, #tpu.memory_space<hbm>>) target_semaphore(%run_scoped3A_40 : memref<!tpu.dma_semaphore, #tpu.memory_space<semaphore_mem>>)
      %dma_wait3A_46 = arith.constant 0 : i32
      %dma_wait3A_47 = tpu.memref_slice %arg6[%arg0, %mul3A_0, %dma_wait3A_46] : memref<2x10240x64xf32, #tpu.memory_space<hbm>> -> memref<1x640x64xf32, #tpu.memory_space<hbm>>
      %dma_wait3A_48 = tpu.memref_squeeze %dma_wait3A_47 : memref<1x640x64xf32, #tpu.memory_space<hbm>> -> memref<640x64xf32, #tpu.memory_space<hbm>>
      %dma_wait3A_49 = arith.constant 0 : i32
      %dma_wait3A_50 = tpu.memref_slice %arg11[%mul3A_0, %dma_wait3A_49] : memref<10240x64xf32, #tpu.memory_space<vmem_shared>> -> memref<640x64xf32, #tpu.memory_space<vmem_shared>>
      tpu.wait_dma2 semaphore(%run_scoped3A_40 : memref<!tpu.dma_semaphore, #tpu.memory_space<semaphore_mem>>) src(%dma_wait3A_50 : memref<640x64xf32, #tpu.memory_space<vmem_shared>>) dst(%dma_wait3A_48 : memref<640x64xf32, #tpu.memory_space<hbm>>)
      tpu.yield
    }) : () -> ()
    return
  }
}

module attributes {stable_mosaic.version = 14 : i64} {
  func.func @_gi_body(%arg0: i32, %arg1: memref<1x320000xi32, #tpu.memory_space<vmem>>, %arg2: memref<2x320000xi32, #tpu.memory_space<vmem>>, %arg3: memref<2x2500x128xi32, #tpu.memory_space<vmem>>, %arg4: memref<2500x128xi32, #tpu.memory_space<vmem>>) attributes {dimension_semantics = [#tpu.dimension_semantics<arbitrary>], iteration_bounds = array<i64: 1>, scalar_prefetch = 0 : i64, scratch_operands = 0 : i64, tpu.core_type = #tpu.core_type<tc>, window_params = [{pipeline_mode = #tpu.pipeline_mode<synchronous>, transform_indices = @transform_0, window_bounds = array<i64: 1, 320000>}, {pipeline_mode = #tpu.pipeline_mode<synchronous>, transform_indices = @transform_1, window_bounds = array<i64: 2, 320000>}, {pipeline_mode = #tpu.pipeline_mode<synchronous>, transform_indices = @transform_2, window_bounds = array<i64: 2, 2500, 128>}, {pipeline_mode = #tpu.pipeline_mode<synchronous>, transform_indices = @transform_3, window_bounds = array<i64: 2500, 128>}]} {
    %get3A = arith.constant 0 : index
    %get3A_0 = arith.constant 0 : index
    %get3A_1 = vector.load %arg1[%get3A, %get3A_0] : memref<1x320000xi32, #tpu.memory_space<vmem>>, vector<1x320000xi32>
    %get3A_2 = vector.shape_cast %get3A_1 : vector<1x320000xi32> to vector<320000xi32>
    %mul3A = arith.constant 10000 : i32
    %mul3A_3 = vector.broadcast %mul3A : i32 to vector<320000xi32>
    %mul3A_4 = arith.muli %get3A_2, %mul3A_3 : vector<320000xi32>
    %get3A_5 = arith.constant 0 : index
    %get3A_6 = arith.constant 0 : index
    %get3A_7 = vector.load %arg2[%get3A_5, %get3A_6] : memref<2x320000xi32, #tpu.memory_space<vmem>>, vector<1x320000xi32>
    %get3A_8 = vector.shape_cast %get3A_7 : vector<1x320000xi32> to vector<320000xi32>
    %add3A = arith.addi %mul3A_4, %get3A_8 : vector<320000xi32>
    %mul3A_9 = arith.constant 2 : i32
    %mul3A_10 = vector.broadcast %mul3A_9 : i32 to vector<320000xi32>
    %mul3A_11 = arith.muli %add3A, %mul3A_10 : vector<320000xi32>
    %reshape3A = vector.shape_cast %mul3A_11 : vector<320000xi32> to vector<2500x128xi32>
    %swap3A = arith.constant 0 : index
    %swap3A_12 = arith.constant 0 : index
    %swap3A_13 = arith.constant 0 : index
    %swap3A_14 = vector.load %arg3[%swap3A, %swap3A_12, %swap3A_13] : memref<2x2500x128xi32, #tpu.memory_space<vmem>>, vector<1x2500x128xi32>
    %swap3A_15 = vector.shape_cast %swap3A_14 : vector<1x2500x128xi32> to vector<2500x128xi32>
    %swap3A_16 = vector.shape_cast %reshape3A : vector<2500x128xi32> to vector<1x2500x128xi32>
    tpu.vector_store %arg3[%swap3A, %swap3A_12, %swap3A_13], %swap3A_16 {strides = array<i32>} : memref<2x2500x128xi32, #tpu.memory_space<vmem>>, vector<1x2500x128xi32>,
    %add3A_17 = arith.constant 1 : i32
    %add3A_18 = vector.broadcast %add3A_17 : i32 to vector<2500x128xi32>
    %add3A_19 = arith.addi %reshape3A, %add3A_18 : vector<2500x128xi32>
    %swap3A_20 = arith.constant 1 : index
    %swap3A_21 = arith.constant 0 : index
    %swap3A_22 = arith.constant 0 : index
    %swap3A_23 = vector.load %arg3[%swap3A_20, %swap3A_21, %swap3A_22] : memref<2x2500x128xi32, #tpu.memory_space<vmem>>, vector<1x2500x128xi32>
    %swap3A_24 = vector.shape_cast %swap3A_23 : vector<1x2500x128xi32> to vector<2500x128xi32>
    %swap3A_25 = vector.shape_cast %add3A_19 : vector<2500x128xi32> to vector<1x2500x128xi32>
    tpu.vector_store %arg3[%swap3A_20, %swap3A_21, %swap3A_22], %swap3A_25 {strides = array<i32>} : memref<2x2500x128xi32, #tpu.memory_space<vmem>>, vector<1x2500x128xi32>,
    %get3A_26 = arith.constant 1 : index
    %get3A_27 = arith.constant 0 : index
    %get3A_28 = vector.load %arg2[%get3A_26, %get3A_27] : memref<2x320000xi32, #tpu.memory_space<vmem>>, vector<1x320000xi32>
    %get3A_29 = vector.shape_cast %get3A_28 : vector<1x320000xi32> to vector<320000xi32>
    %reshape3A_30 = vector.shape_cast %get3A_29 : vector<320000xi32> to vector<2500x128xi32>
    %swap3A_31 = arith.constant 0 : index
    %swap3A_32 = arith.constant 0 : index
    %swap3A_33 = vector.load %arg4[%swap3A_31, %swap3A_32] : memref<2500x128xi32, #tpu.memory_space<vmem>>, vector<2500x128xi32>
    tpu.vector_store %arg4[%swap3A_31, %swap3A_32], %reshape3A_30 {strides = array<i32>} : memref<2500x128xi32, #tpu.memory_space<vmem>>, vector<2500x128xi32>,
    return
  }
  func.func @transform_0(%arg0: i32) -> (i32, i32) {
    %c0_i32 = arith.constant 0 : i32
    %c0_i32_0 = arith.constant 0 : i32
    %c0_i32_1 = arith.constant 0 : i32
    return %c0_i32, %c0_i32_0 : i32, i32
  }
  func.func @transform_1(%arg0: i32) -> (i32, i32) {
    %c0_i32 = arith.constant 0 : i32
    %c0_i32_0 = arith.constant 0 : i32
    %c0_i32_1 = arith.constant 0 : i32
    return %c0_i32, %c0_i32_0 : i32, i32
  }
  func.func @transform_2(%arg0: i32) -> (i32, i32, i32) {
    %c0_i32 = arith.constant 0 : i32
    %c0_i32_0 = arith.constant 0 : i32
    %c0_i32_1 = arith.constant 0 : i32
    %c0_i32_2 = arith.constant 0 : i32
    return %c0_i32, %c0_i32_0, %c0_i32_1 : i32, i32, i32
  }
  func.func @transform_3(%arg0: i32) -> (i32, i32) {
    %c0_i32 = arith.constant 0 : i32
    %c0_i32_0 = arith.constant 0 : i32
    %c0_i32_1 = arith.constant 0 : i32
    return %c0_i32, %c0_i32_0 : i32, i32
  }
}

module attributes {stable_mosaic.version = 14 : i64} {
  func.func @_mm_body(%arg0: i32, %arg1: memref<10000x128xf32, #tpu.memory_space<vmem>>, %arg2: memref<1x128x128xf32, #tpu.memory_space<vmem>>, %arg3: memref<10000x128xf32, #tpu.memory_space<vmem>>) attributes {dimension_semantics = [#tpu.dimension_semantics<arbitrary>], iteration_bounds = array<i64: 8>, scalar_prefetch = 0 : i64, scratch_operands = 0 : i64, tpu.core_type = #tpu.core_type<tc>, window_params = [{pipeline_mode = #tpu.pipeline_mode<synchronous>, transform_indices = @transform_0, window_bounds = array<i64: 10000, 128>}, {transform_indices = @transform_1, window_bounds = array<i64: 1, 128, 128>}, {transform_indices = @transform_2, window_bounds = array<i64: 10000, 128>}]} {
    %get3A = arith.constant 0 : index
    %get3A_0 = arith.constant 0 : index
    %get3A_1 = vector.load %arg1[%get3A, %get3A_0] : memref<10000x128xf32, #tpu.memory_space<vmem>>, vector<10000x128xf32>
    %get3A_2 = arith.constant 0 : index
    %get3A_3 = arith.constant 0 : index
    %get3A_4 = arith.constant 0 : index
    %get3A_5 = vector.load %arg2[%get3A_2, %get3A_3, %get3A_4] : memref<1x128x128xf32, #tpu.memory_space<vmem>>, vector<1x128x128xf32>
    %get3A_6 = vector.shape_cast %get3A_5 : vector<1x128x128xf32> to vector<128x128xf32>
    %dot_general3A = arith.constant dense<0.000000e+00> : vector<10000x128xf32>
    %dot_general3A_7 = tpu.matmul %get3A_1, %get3A_6, %dot_general3A {dimension_numbers = #tpu.dot_dimension_numbers<[1], [0], [0], [1], [0, 0, 1, 1], [], []>, transpose_lhs_hint = false} : vector<10000x128xf32>, vector<128x128xf32>, vector<10000x128xf32> -> vector<10000x128xf32>
    %swap3A = arith.constant 0 : index
    %swap3A_8 = arith.constant 0 : index
    %swap3A_9 = vector.load %arg3[%swap3A, %swap3A_8] : memref<10000x128xf32, #tpu.memory_space<vmem>>, vector<10000x128xf32>
    tpu.vector_store %arg3[%swap3A, %swap3A_8], %dot_general3A_7 {strides = array<i32>} : memref<10000x128xf32, #tpu.memory_space<vmem>>, vector<10000x128xf32>,
    return
  }
  func.func @transform_0(%arg0: i32) -> (i32, i32) {
    %c0_i32 = arith.constant 0 : i32
    %c0_i32_0 = arith.constant 0 : i32
    %c0_i32_1 = arith.constant 0 : i32
    return %c0_i32, %c0_i32_0 : i32, i32
  }
  func.func @transform_1(%arg0: i32) -> (i32, i32, i32) {
    %c0_i32 = arith.constant 0 : i32
    %c0_i32_0 = arith.constant 0 : i32
    %c0_i32_1 = arith.constant 0 : i32
    return %arg0, %c0_i32, %c0_i32_0 : i32, i32, i32
  }
  func.func @transform_2(%arg0: i32) -> (i32, i32) {
    %c0_i32 = arith.constant 0 : i32
    %c0_i32_0 = arith.constant 0 : i32
    return %arg0, %c0_i32 : i32, i32
  }
}

module attributes {stable_mosaic.version = 14 : i64} {
  func.func @_ep_body(%arg0: i32, %arg1: memref<2x2000x64xf32, #tpu.memory_space<vmem>>, %arg2: memref<2x1x64xf32, #tpu.memory_space<vmem>>, %arg3: memref<2000x128xf32, #tpu.memory_space<vmem>>) attributes {dimension_semantics = [#tpu.dimension_semantics<arbitrary>], iteration_bounds = array<i64: 5>, scalar_prefetch = 0 : i64, scratch_operands = 0 : i64, tpu.core_type = #tpu.core_type<tc>, window_params = [{transform_indices = @transform_0, window_bounds = array<i64: 2, 2000, 64>}, {pipeline_mode = #tpu.pipeline_mode<synchronous>, transform_indices = @transform_1, window_bounds = array<i64: 2, 1, 64>}, {transform_indices = @transform_2, window_bounds = array<i64: 2000, 128>}]} {
    %get3A = arith.constant 0 : index
    %get3A_0 = arith.constant 0 : index
    %get3A_1 = arith.constant 0 : index
    %get3A_2 = vector.load %arg1[%get3A, %get3A_0, %get3A_1] : memref<2x2000x64xf32, #tpu.memory_space<vmem>>, vector<1x2000x64xf32>
    %get3A_3 = vector.shape_cast %get3A_2 : vector<1x2000x64xf32> to vector<2000x64xf32>
    %get3A_4 = arith.constant 1 : index
    %get3A_5 = arith.constant 0 : index
    %get3A_6 = arith.constant 0 : index
    %get3A_7 = vector.load %arg1[%get3A_4, %get3A_5, %get3A_6] : memref<2x2000x64xf32, #tpu.memory_space<vmem>>, vector<1x2000x64xf32>
    %get3A_8 = vector.shape_cast %get3A_7 : vector<1x2000x64xf32> to vector<2000x64xf32>
    %concatenate3A = tpu.concatenate %get3A_3, %get3A_8 in 1 : vector<2000x64xf32>, vector<2000x64xf32> -> vector<2000x128xf32>
    %get3A_9 = arith.constant 0 : index
    %get3A_10 = arith.constant 0 : index
    %get3A_11 = arith.constant 0 : index
    %get3A_12 = vector.load %arg2[%get3A_9, %get3A_10, %get3A_11] : memref<2x1x64xf32, #tpu.memory_space<vmem>>, vector<1x1x64xf32>
    %get3A_13 = vector.shape_cast %get3A_12 : vector<1x1x64xf32> to vector<1x64xf32>
    %get3A_14 = arith.constant 1 : index
    %get3A_15 = arith.constant 0 : index
    %get3A_16 = arith.constant 0 : index
    %get3A_17 = vector.load %arg2[%get3A_14, %get3A_15, %get3A_16] : memref<2x1x64xf32, #tpu.memory_space<vmem>>, vector<1x1x64xf32>
    %get3A_18 = vector.shape_cast %get3A_17 : vector<1x1x64xf32> to vector<1x64xf32>
    %concatenate3A_19 = tpu.concatenate %get3A_13, %get3A_18 in 1 : vector<1x64xf32>, vector<1x64xf32> -> vector<1x128xf32>
    %add3A = vector.broadcast %concatenate3A_19 : vector<1x128xf32> to vector<2000x128xf32>
    %add3A_20 = arith.addf %concatenate3A, %add3A : vector<2000x128xf32>
    %swap3A = arith.constant 0 : index
    %swap3A_21 = arith.constant 0 : index
    %swap3A_22 = vector.load %arg3[%swap3A, %swap3A_21] : memref<2000x128xf32, #tpu.memory_space<vmem>>, vector<2000x128xf32>
    tpu.vector_store %arg3[%swap3A, %swap3A_21], %add3A_20 {strides = array<i32>} : memref<2000x128xf32, #tpu.memory_space<vmem>>, vector<2000x128xf32>,
    return
  }
  func.func @transform_0(%arg0: i32) -> (i32, i32, i32) {
    %c0_i32 = arith.constant 0 : i32
    %c0_i32_0 = arith.constant 0 : i32
    %c0_i32_1 = arith.constant 0 : i32
    return %c0_i32, %arg0, %c0_i32_0 : i32, i32, i32
  }
  func.func @transform_1(%arg0: i32) -> (i32, i32, i32) {
    %c0_i32 = arith.constant 0 : i32
    %c0_i32_0 = arith.constant 0 : i32
    %c0_i32_1 = arith.constant 0 : i32
    %c0_i32_2 = arith.constant 0 : i32
    return %c0_i32, %c0_i32_0, %c0_i32_1 : i32, i32, i32
  }
  func.func @transform_2(%arg0: i32) -> (i32, i32) {
    %c0_i32 = arith.constant 0 : i32
    %c0_i32_0 = arith.constant 0 : i32
    return %arg0, %c0_i32 : i32, i32
  }
}

</mosaic_0001>

<sc_bundles>
// kernel: kernel.6.cloned.1.call-start
scs
__scs_entry_jumppad:
0x0: {  	(pc) =	sbr.rel $0x88, $3  }
0x1: {  	(tag) =	ssettag $0x0;
	lr =	simm.s32 $0x1  }
0x2: {  	[smem:$0x3F9C] =	sst lr;
	_ =	strace $0xD0000000  }
0x3: {  	_ = 	snop  }
0x4: {  	_ = 	snop  }
0x5: {  	_ = 	snop  }
0x6: {  	_ = 	snop  }
0x7: {  	_ = 	snop  }
__scs_overlays_trampoline_lowered:
0x8: {  	[smem:$0x3FAB] =	sst s0  }
0x9: {  	[smem:$0x3FAC] =	sst s1  }
0xa: {  	[smem:$0x3FAD] =	sst s2  }
0xb: {  	[smem:$0x3FAE] =	sst s3  }
0xc: {  	[smem:$0x3FAF] =	sst s4  }
0xd: {  	[smem:$0x3FB0] =	sst s5  }
0xe: {  	[smem:$0x3FB1] =	sst s6  }
0xf: {  	[smem:$0x3FB2] =	sst s7  }
0x10: {  	[smem:$0x3FB3] =	sst s8  }
0x11: {  	[smem:$0x3FB4] =	sst s9;
	s0 =	simm.s32 @!p0 $0x0  }
0x12: {  	s1 =	sld [smem:$0x3F9A];
	s0 =	simm.s32 @p0 $0x1  }
0x13: {  	[smem:$0x3FB5] =	sst s0;
	s0 =	simm.s32 @!p1 $0x0  }
0x14: {  	s2 =	sld [smem:$0x3F99];
	s0 =	simm.s32 @p1 $0x1  }
0x15: {  	[smem:$0x3FB6] =	sst s0;
	s0 =	simm.s32 @!p2 $0x0  }
0x16: {  	s3 =	sld [smem:$0x3FDB];
	s0 =	simm.s32 @p2 $0x1  }
0x17: {  	s4 =	simm.s32 $0x1BF5;
	[smem:$0x3FB8] =	sst s0  }
0x18: {  	s0 =	sld [smem:$0x3F9B];
	_ =	swait.ge [sflag:s4], $0x0  }
0x19: {  	s7 =	sld [smem:$0x3F9C]  }
0x1a: {  	s8 =	sadd.s32 $0xFFFFE003, lr  }
0x1b: {  	s9 =	sadd.s32 $0xFFFFFEF7, lr;
	s5 =	simm.s32 $0xFFFFFFFF;
	p2 =	slt.u32 s8, $0xFFFFF086  }
0x1c: {  	p1 =	slt.u32 s9, $0xF7A;
	s5 =	simm.s32 @!p2 $0x0  }
0x1d: {  	s5 =	simm.s32 @p1 $0x1;
	p0 =	seq.s32 s7, s2  }
0x1e: {  	s7 =	smul.u32 @!p0 $0xF7A, s2;
	p2 =	seq.s32 @!p0 s5, $0x0  }
0x1f: {  	s9 =	smul.u32 $0xF7A, s1;
	s8 =	simm.s32 @!p0 $0x1BF5;
	p2 =	por !p2, p0  }
0x20: {  	[sflag:s8] =	ssyncset.s32 @!p0 $0xFFFFF086;
	s6 =	sadd.s32 @!p0 s3, s7;
	s7 =	simm.s32 @!p0 $0x108  }
0x21: {  	s3 =	sadd.s32 s3, s9;
	s6 =	sadd.s32 @!p0 $0x88, s6;
	s7 =	simm.s32 @p2 $0x1082  }
0x22: {  	[simem:s7], [sflag:s8] =	dma.local @!p0 [hbm:s6], $0xF7A  }
0x23: {  	s9 =	sor.u32 $0xD0000000, s2;
	s6 =	simm.s32 $0x108;
	_ =	swait.ge @!p0 [sflag:s8], $0x0  }
0x24: {  	s3 =	sadd.s32 $0x88, s3;
	s6 =	simm.s32 @!p1 $0x1082;
	[sflag:s4] =	ssyncset.s32 $0xFFFFF086  }
0x25: {  	[simem:s6], [sflag:s4] =	dma.local [hbm:s3], $0xF7A  }
0x26: {  	[smem:$0x3F9C] =	sst s1;
	(tag) =	ssettag s2;
	_ =	strace s9  }
0x27: {  	s1 =	sld [smem:$0x3FAC]  }
0x28: {  	s2 =	sld [smem:$0x3FAD]  }
0x29: {  	s4 =	sld [smem:$0x3FAF]  }
0x2a: {  	p0 =	seq.s32 s5, $0x0;
	s5 =	sld [smem:$0x3FB0]  }
0x2b: {  	s6 =	sld [smem:$0x3FB1]  }
0x2c: {  	s7 =	sld [smem:$0x3FB2]  }
0x2d: {  	s3 =	simm.s32 $0x108;
	s8 =	sld [smem:$0x3FB3]  }
0x2e: {  	s3 =	simm.s32 @!p0 $0x1082;
	s9 =	sld [smem:$0x3FB4]  }
0x2f: {  	lr =	sadd.s32 s0, s3;
	s0 =	sld [smem:$0x3FAB]  }
0x30: {  	s3 =	sld [smem:$0x3FAE]  }
0x31: {  	[smem:$0x3FB7] =	sst s10  }
0x32: {  	s10 =	sld [smem:$0x3FB5];
	_ =	sdelay $0x3  }
0x33: {  	p0 =	seq.s32 s10, $0x1;
	s10 =	sld [smem:$0x3FB7];
	_ =	sdelay $0x3  }
0x34: {  	[smem:$0x3FB7] =	sst s10  }
0x35: {  	s10 =	sld [smem:$0x3FB6];
	_ =	sdelay $0x3  }
0x36: {  	p1 =	seq.s32 s10, $0x1;
	s10 =	sld [smem:$0x3FB7];
	_ =	sdelay $0x3  }
0x37: {  	[smem:$0x3FB7] =	sst s10  }
0x38: {  	s10 =	sld [smem:$0x3FB8]  }
0x39: {  	_ = 	snop;
	(pc) =	sbr.ind lr, $3  }
0x3a: {  	_ = 	snop  }
0x3b: {  	_ = 	snop  }
0x3c: {  	p2 =	seq.s32 s10, $0x1;
	s10 =	sld [smem:$0x3FB7]  }
0x3d: {  	_ =	shalt  }
0x3e: {  	_ =	shalt  }
0x3f: {  	_ =	shalt  }
0x40: {  	_ =	shalt  }
0x41: {  	_ =	shalt  }
0x42: {  	_ =	shalt  }
0x43: {  	_ =	shalt  }
0x44: {  	_ =	shalt  }
0x45: {  	_ =	shalt  }
0x46: {  	_ =	shalt  }
0x47: {  	_ =	shalt  }
0x48: {  	_ =	shalt  }
0x49: {  	_ =	shalt  }
0x4a: {  	_ =	shalt  }
0x4b: {  	_ =	shalt  }
0x4c: {  	_ =	shalt  }
0x4d: {  	_ =	shalt  }
0x4e: {  	_ =	shalt  }
0x4f: {  	_ =	shalt  }
0x50: {  	_ =	shalt  }
0x51: {  	_ =	shalt  }
0x52: {  	_ =	shalt  }
0x53: {  	_ =	shalt  }
0x54: {  	_ =	shalt  }
0x55: {  	_ =	shalt  }
0x56: {  	_ =	shalt  }
0x57: {  	_ =	shalt  }
0x58: {  	_ =	shalt  }
0x59: {  	_ =	shalt  }
0x5a: {  	_ =	shalt  }
0x5b: {  	_ =	shalt  }
0x5c: {  	_ =	shalt  }
0x5d: {  	_ =	shalt  }
0x5e: {  	_ =	shalt  }
0x5f: {  	_ =	shalt  }
0x60: {  	_ =	shalt  }
0x61: {  	_ =	shalt  }
0x62: {  	_ =	shalt  }
0x63: {  	_ =	shalt  }
0x64: {  	_ =	shalt  }
0x65: {  	_ =	shalt  }
0x66: {  	_ =	shalt  }
0x67: {  	_ =	shalt  }
0x68: {  	_ =	shalt  }
0x69: {  	_ =	shalt  }
0x6a: {  	_ =	shalt  }
0x6b: {  	_ =	shalt  }
0x6c: {  	_ =	shalt  }
0x6d: {  	_ =	shalt  }
0x6e: {  	_ =	shalt  }
0x6f: {  	_ =	shalt  }
0x70: {  	_ =	shalt  }
0x71: {  	_ =	shalt  }
0x72: {  	_ =	shalt  }
0x73: {  	_ =	shalt  }
0x74: {  	_ =	shalt  }
0x75: {  	_ =	shalt  }
0x76: {  	_ =	shalt  }
0x77: {  	_ =	shalt  }
0x78: {  	_ =	shalt  }
0x79: {  	_ =	shalt  }
0x7a: {  	_ =	shalt  }
0x7b: {  	_ =	shalt  }
0x7c: {  	_ =	shalt  }
0x7d: {  	_ =	shalt  }
0x7e: {  	_ =	shalt  }
0x7f: {  	_ =	shalt  }
0x80: {  	_ =	shalt  }
0x81: {  	_ =	shalt  }
0x82: {  	_ =	shalt  }
0x83: {  	_ =	shalt  }
0x84: {  	_ =	shalt  }
0x85: {  	_ =	shalt  }
0x86: {  	_ =	shalt  }
0x87: {  	_ =	shalt  }
.Lfunc_end0:
.L_simem_size_0:
called_computation_lowered:
.L_overlay_start_0:
0x88: {  	s2 =	sld [smem:$0x3FD9]  }
0x89: {  	s3 =	sld [smem:$0x3FFE];
	_ =	sdelay $0x1  }
0x8a: {  	s1 =	srdreg.scid  }
0x8b: {  	s0 =	sand.u32 $0x1, s1  }
0x8c: {  	s17 =	sshll.u32 s0, $0xA;
	s2 =	sadd.s32 s3, s2  }
0x8d: {  	s2 =	sadd.s32 s2, s17  }
0x8e: {  	[smem:$0x3FC3] =	sst s2  }
0x8f: {  	_ = 	snop  }
0x90: {  	s2 =	sld [smem:$0x3FD0];
	(tm) =	ssettm $0x1  }
0x91: {  	s18 =	sld [smem:$0x3FFB];
	_ =	sdelay $0x3  }
0x92: {  	_ =	strace s18  }
0x93: {  	s3 =	sld [smem:$0x3FFC];
	_ =	sdelay $0x3  }
0x94: {  	_ =	strace s3  }
0x95: {  	s3 =	sld [smem:$0x3FFD];
	_ =	sdelay $0x3  }
0x96: {  	_ =	strace s3  }
0x97: {  	_ =	strace $0x8FFFFFFF  }
0x98: {  	s19 =	sld [smem:$0x3FDB];
	_ =	sdelay $0x1  }
0x99: {  	s4 =	simm.s32 $_scs_section_size  }
0x9a: {  	s5 =	simm.s32 $_size__tile_overlayer_lowered;
	s6 =	simm.s32 $_tile_overlayer_lowered  }
0x9b: {  	s22 =	simm.s32 $0x1BFF;
	s21 =	sshll.u32 s6, $0x1;
	s3 =	sadd.s32 s4, s19  }
0x9c: {  	s7 =	simm.s32 $0x0;
	s20 =	sshll.u32 s5, $0x1;
	s5 =	sadd.s32 s21, s3  }
0x9d: {  	[timem:s7], [sflag:s22] =	dma.local [hbm:s5], s20  }
0x9e: {  	_ =	swait.ge [sflag:s22], s20  }
0x9f: {  	s4 =	ssub.s32 $0x0, s20;
	[sflag:s22] =	ssyncset.done $0x0  }
0xa0: {  	[sflag:s22] =	ssyncadd.s32 s4;
	_ =	sdelay $0x1  }
0xa1: {  	s23 =	simm.s32 $0x1B8B  }
0xa2: {  	_ =	swait.ge [sflag:s23], $0x1  }
0xa3: {  	[sflag:s23] =	ssyncset.done $0x0  }
0xa4: {  	s25 =	simm.s32 $0x1B8E;
	s24 =	sld [smem:$0x3FFE];
	[sflag:s23] =	ssyncadd.s32 $0xFFFFFFFF  }
0xa5: {  	s26 =	simm.s32 $execute0_lowered;
	[smem:$0x3FD2] =	sst s25  }
0xa6: {  	s5 =	sshll.u32 s26, $0x1;
	_ =	strace $0x80000046;
	[dreg:$0x1] =	wrdreg $0xFFFFFFFF  }
0xa7: {  	s28 =	simm.s32 $_size_execute0_lowered;
	s3 =	sadd.s32 s3, s5;
	[dreg:$0x0] =	wrdreg $0x0  }
0xa8: {  	s5 =	sshll.u32 s28, $0x1;
	[dreg:$0x2] =	wrdreg s3  }
0xa9: {  	[dreg:$0x3] =	wrdreg s5  }
0xaa: {  	[dreg:$0x4] =	wrdreg $0xC0  }
0xab: {  	_ =	task [dreg:s7], $0x5FFFF  }
0xac: {  	[dreg:$0x1] =	wrdreg $0xFFFFFFFF  }
0xad: {  	[dreg:$0x0] =	wrdreg $0x60  }
0xae: {  	[dreg:$0x2] =	wrdreg s24  }
0xaf: {  	[dreg:$0x3] =	wrdreg s2  }
0xb0: {  	[dreg:$0x4] =	wrdreg $0x117B00  }
0xb1: {  	[dreg:$0x5] =	wrdreg $0x9  }
0xb2: {  	_ =	task.clear_ibuf [dreg:s7], $0x6FFFF;
	_ =	strace $0x90000046  }
0xb3: {  	s29 =	simm.s32 $0x9;
	_ =	strace $0x80000048  }
0xb4: {  	_ =	swait.ge [sflag:s29], $0x1  }
0xb5: {  	[sflag:s29] =	ssyncadd.s32 $0xFFFFFFFF  }
0xb6: {  	_ =	strace $0x90000048  }
0xb7: {  	_ =	sfence  }
0xb8: {  	s30 =	sld [smem:$0x0];
	_ =	sdelay $0x2  }
0xb9: {  	s31 =	sshll.u32 s1, $0xD;
	s1 =	sshrl.u32 s1, $0x2  }
0xba: {  	s3 =	sand.u32 $0x4000, s31;
	s1 =	sadd.s32 s1, s30  }
0xbb: {  	s0 =	sor.u32 s3, s0;
	s1 =	sshll.u32 s1, $0x11  }
0xbc: {  	s0 =	sor.u32 s1, s0  }
0xbd: {  	s0 =	sadd.s32 $0x8F2B, s0  }
0xbe: {  	[sflag:s0] =	ssyncadd.remote.s32 $0x1  }
0xbf: {  	_ =	sfence.sel $0xFFFF  }
0xc0: {  	[dreg:$0x0] =	wrdreg $0xFFFFFFFF;
	(pc) =	sbr.abs _section_cstart, $3  }
0xc1: {  	[dreg:$0x1] =	wrdreg $0xFFFFFFFF  }
0xc2: {  	_ =	task.clear_ibuf [dreg:s7], $0x2FFFF;
	_ =	strace $0x9FFFFFFF  }
0xc3: {  	(tm) =	ssettm $0x7FFFFFFF  }
tec
execute0_lowered:
.L_overlay_start_1:
0x0: {  	(tag) =	ssettag $0x1  }
0x1: {  	s0 =	rddreg [dreg:$0x0]  }
0x2: {  	s1 =	srdreg.scid;
	s5 =	rddreg [dreg:$0x1]  }
0x3: {  	s11 =	stileid.u32;
	s2 =	rddreg [dreg:$0x2]  }
0x4: {  	s3 =	simm.s32 $0x0;
	s14 =	simm.s32 $0x3;
	s16 =	simm.s32 $0x4FB0  }
0x5: {  	s17 =	simm.s32 $0x1;
	s18 =	simm.s32 $0x190;
	s19 =	simm.s32 $0xB3B0  }
0x6: {  	s20 =	simm.s32 $0x64;
	s21 =	simm.s32 $0x68B0;
	s6 =	smul.u32 $0x4E20, s11  }
0x7: {  	s28 =	simm.s32 $0xFEB0;
	s29 =	simm.s32 $0x4E10;
	s7 =	smul.u32 $0x5140, s11  }
0x8: {  	s30 =	simm.s32 $0x4E78;
	s1 =	sand.u32 $0x1, s1;
	s22 =	smul.u32 $0xA000, s11  }
0x9: {  	s31 =	simm.s32 $0x4EE0;
	[smem:$0x7FF] =	sst s3;
	s4 =	smul.u32 $0x4E200, s1  }
0xa: {  	s24 =	sshll.u32 s11, $0x6;
	s9 =	smul.u32 $0xA0000, s1;
	s1 =	ssub.s32 $0x2, s1  }
0xb: {  	_ =	strace $0x80000047;
	s7 =	sshrl.u32 s7, $0x3;
	s10 =	sshrl.u32 s1, $0x1  }
0xc: {  	s23 =	sshrl.u32 s22, $0x3;
	s13 =	sadd.s32 s22, s2;
	s4 =	sadd.s32 s6, s4  }
0xd: {  	s9 =	sadd.s32 s22, s9;
	s7 =	sadd.s32 s7, s0;
	s1 =	ssub.s32 s1, s10  }
0xe: {  	s5 =	sadd.s32 s5, s23;
	s6 =	sor.u32 $0x1C03, s24;
	s13 =	sshrl.u32 s13, $0x3  }
0xf: {  	s22 =	simm.s32 $0x81B0;
	s23 =	simm.s32 $0x9AB0;
	s24 =	simm.s32 $0x2  }
0x10: {  	s8 =	sshrl.u32 s4, $0x3;
	s4 =	sadd.s32 $0x1F200, s0;
	s9 =	sshrl.u32 s9, $0x3  }
0x11: {  	[dreg:$0x4] =	wrdreg s5;
	s26 =	sadd.s32 $0x1400, s7;
	s10 =	sadd.s32 $0x1914, s7  }
0x12: {  	s12 =	smax.u32 s1, $0x1;
	s1 =	simm.s32 $0x4F48;
	s8 =	sadd.s32 s8, s0  }
0x13: {  	s0 =	sadd.s32 s9, s0;
	[dreg:$0x6] =	wrdreg s26;
	s26 =	simm.s32 $0xE5B0  }
0x14: {  	s25 =	sadd.s32 $0xB800, s8;
	s9 =	sadd.s32 $0xBCE2, s8;
	s11 =	sadd.s32 $0x157A00, s0  }
0x15: {  	s0 =	simm.s32 $0x0;
	[dreg:$0x5] =	wrdreg s25;
	s25 =	simm.s32 $0xCCB0  }
.LBB2_1:
0x16: {  	s5 =	rddreg [dreg:$0x4]  }
0x17: {  	[spmem:s13], [sflag:s6] =	dma.local [hbm:s5], $0x1400  }
0x18: {  	_ =	swait.ge [sflag:s14], $0x1400  }
0x19: {  	[sflag:s14] =	ssyncset.done $0x0  }
0x1a: {  	[sflag:s14] =	ssyncadd.s32 $0xFFFFEC00  }
0x1b: {  	[bflag:$0x0] =	sbarrier.arrive $0xFFFF  }
0x1c: {  	s8 =	rddreg [dreg:$0x5]  }
0x1d: {  	[tilespmem:s3], [sflag:$0x3] =	stream.linear.gather [hbm4b:s8+s3], $0x2710, $0x38;
	[tilespmem:$0x1B7B0] =	vst v63  }
0x1e: {  	_ =	swait.ge [sflag:s14], $0x2710  }
0x1f: {  	[sflag:s14] =	ssyncset.done $0x0  }
0x20: {  	s7 =	simm.s32 $0x2710;
	s15 =	rddreg [dreg:$0x6];
	[sflag:s14] =	ssyncadd.s32 $0xFFFFD8F0  }
0x21: {  	[tilespmem:s7], [sflag:$0x3] =	stream.linear.gather [hbm4b:s15+s3], $0x28A0, $0x38;
	[tilespmem:$0x1B7B0] =	vst v63  }
0x22: {  	_ =	swait.ge [sflag:s14], $0x28A0  }
0x23: {  	[sflag:s14] =	ssyncset.done $0x0  }
0x24: {  	[sflag:s14] =	ssyncadd.s32 $0xFFFFD760  }
0x25: {  	[tilespmem:s16], [sflag:$0x1] =	stream.indirect.gather [hbm4b:s4+s18], $0x40, s3, s18, $0xb8;
	[tilespmem:$0x1B7B0] =	vst v63  }
0x26: {  	_ =	swait.ge [sflag:s17], $0x6400  }
0x27: {  	[sflag:s17] =	ssyncset.done $0x0  }
0x28: {  	[sflag:s17] =	ssyncadd.s32 $0xFFFF9C00  }
0x29: {  	[tilespmem:s19], [sflag:$0x2] =	stream.indirect.gather [hbm4b:s4+s18], $0x40, s18, s18, $0xb8;
	[tilespmem:$0x1B7B0] =	vst v63  }
0x2a: {  	s7 =	simm.s32 $0x2710  }
0x2b: {  	[spmem:s2] =	stream.indirect.scatter.add.f32 [tilespmem:s16], [sflag:$0x3], $0x40, s7, s20, $0xb8;
	[tilespmem:$0x1B7B0] =	vst v63  }
0x2c: {  	_ =	swait.ge [sflag:s14], $0x1900  }
0x2d: {  	[sflag:s14] =	ssyncset.done $0x0  }
0x2e: {  	s8 =	simm.s32 $0x2778;
	[sflag:s14] =	ssyncadd.s32 $0xFFFFE700  }
0x2f: {  	[spmem:s2] =	stream.indirect.scatter.add.f32 [tilespmem:s21], [sflag:$0x3], $0x40, s8, s20, $0xb8;
	[tilespmem:$0x1B7B0] =	vst v63  }
0x30: {  	_ =	swait.ge [sflag:s14], $0x1900  }
0x31: {  	[sflag:s14] =	ssyncset.done $0x0  }
0x32: {  	s15 =	simm.s32 $0x27E0;
	[sflag:s14] =	ssyncadd.s32 $0xFFFFE700  }
0x33: {  	[spmem:s2] =	stream.indirect.scatter.add.f32 [tilespmem:s22], [sflag:$0x3], $0x40, s15, s20, $0xb8;
	[tilespmem:$0x1B7B0] =	vst v63  }
0x34: {  	_ =	swait.ge [sflag:s14], $0x1900  }
0x35: {  	[sflag:s14] =	ssyncset.done $0x0  }
0x36: {  	s7 =	simm.s32 $0x2848;
	[sflag:s14] =	ssyncadd.s32 $0xFFFFE700  }
0x37: {  	[spmem:s2] =	stream.indirect.scatter.add.f32 [tilespmem:s23], [sflag:$0x3], $0x40, s7, s20, $0xb8;
	[tilespmem:$0x1B7B0] =	vst v63  }
0x38: {  	_ =	swait.ge [sflag:s14], $0x1900  }
0x39: {  	[sflag:s14] =	ssyncset.done $0x0  }
0x3a: {  	[sflag:s14] =	ssyncadd.s32 $0xFFFFE700  }
0x3b: {  	_ =	swait.ge [sflag:s24], $0x6400  }
0x3c: {  	[sflag:s24] =	ssyncset.done $0x0  }
0x3d: {  	s8 =	simm.s32 $0x320;
	[sflag:s24] =	ssyncadd.s32 $0xFFFF9C00  }
0x3e: {  	[tilespmem:s16], [sflag:$0x1] =	stream.indirect.gather [hbm4b:s4+s18], $0x40, s8, s18, $0xb8;
	[tilespmem:$0x1B7B0] =	vst v63  }
0x3f: {  	s15 =	simm.s32 $0x28B0  }
0x40: {  	[spmem:s2] =	stream.indirect.scatter.add.f32 [tilespmem:s19], [sflag:$0x3], $0x40, s15, s20, $0xb8;
	[tilespmem:$0x1B7B0] =	vst v63  }
0x41: {  	_ =	swait.ge [sflag:s14], $0x1900  }
0x42: {  	[sflag:s14] =	ssyncset.done $0x0  }
0x43: {  	s7 =	simm.s32 $0x2918;
	[sflag:s14] =	ssyncadd.s32 $0xFFFFE700  }
0x44: {  	[spmem:s2] =	stream.indirect.scatter.add.f32 [tilespmem:s25], [sflag:$0x3], $0x40, s7, s20, $0xb8;
	[tilespmem:$0x1B7B0] =	vst v63  }
0x45: {  	_ =	swait.ge [sflag:s14], $0x1900  }
0x46: {  	[sflag:s14] =	ssyncset.done $0x0  }
0x47: {  	s8 =	simm.s32 $0x2980;
	[sflag:s14] =	ssyncadd.s32 $0xFFFFE700  }
0x48: {  	[spmem:s2] =	stream.indirect.scatter.add.f32 [tilespmem:s26], [sflag:$0x3], $0x40, s8, s20, $0xb8;
	[tilespmem:$0x1B7B0] =	vst v63  }
0x49: {  	_ =	swait.ge [sflag:s14], $0x1900  }
0x4a: {  	[sflag:s14] =	ssyncset.done $0x0  }
0x4b: {  	s15 =	simm.s32 $0x29E8;
	[sflag:s14] =	ssyncadd.s32 $0xFFFFE700  }
0x4c: {  	[spmem:s2] =	stream.indirect.scatter.add.f32 [tilespmem:s28], [sflag:$0x3], $0x40, s15, s20, $0xb8;
	[tilespmem:$0x1B7B0] =	vst v63  }
0x4d: {  	_ =	swait.ge [sflag:s14], $0x1900  }
0x4e: {  	s5 =	simm.s32 $0xD00;
	s7 =	simm.s32 $0x190;
	[sflag:s14] =	ssyncset.done $0x0  }
.LBB2_2:
0x4f: {  	p0 =	sne.s32 s5, $0x8F00;
	[sflag:s14] =	ssyncadd.s32 $0xFFFFE700;
	s7 =	sadd.s32 $0x320, s7  }
0x50: {  	s8 =	smov.u32 s5;
	s5 =	sadd.s32 $0xD00, s5;
	_ =	swait.ge [sflag:s17], $0x6400  }
0x51: {  	[sflag:s17] =	ssyncset.done $0x0  }
0x52: {  	s8 =	sshra.s32 s8, $0x2;
	[sflag:s17] =	ssyncadd.s32 $0xFFFF9C00  }
0x53: {  	[tilespmem:s19], [sflag:$0x2] =	stream.indirect.gather [hbm4b:s4+s18], $0x40, s7, s18, $0xb8;
	[tilespmem:$0x1B7B0] =	vst v63  }
0x54: {  	s15 =	sadd.s32 $0x2710, s8  }
0x55: {  	[spmem:s2] =	stream.indirect.scatter.add.f32 [tilespmem:s16], [sflag:$0x3], $0x40, s15, s20, $0xb8;
	[tilespmem:$0x1B7B0] =	vst v63  }
0x56: {  	_ =	swait.ge [sflag:s14], $0x1900  }
0x57: {  	[sflag:s14] =	ssyncset.done $0x0  }
0x58: {  	s15 =	sadd.s32 $0x2778, s8;
	[sflag:s14] =	ssyncadd.s32 $0xFFFFE700  }
0x59: {  	[spmem:s2] =	stream.indirect.scatter.add.f32 [tilespmem:s21], [sflag:$0x3], $0x40, s15, s20, $0xb8;
	[tilespmem:$0x1B7B0] =	vst v63  }
0x5a: {  	_ =	swait.ge [sflag:s14], $0x1900  }
0x5b: {  	[sflag:s14] =	ssyncset.done $0x0  }
0x5c: {  	s15 =	sadd.s32 $0x27E0, s8;
	[sflag:s14] =	ssyncadd.s32 $0xFFFFE700  }
0x5d: {  	[spmem:s2] =	stream.indirect.scatter.add.f32 [tilespmem:s22], [sflag:$0x3], $0x40, s15, s20, $0xb8;
	[tilespmem:$0x1B7B0] =	vst v63  }
0x5e: {  	_ =	swait.ge [sflag:s14], $0x1900  }
0x5f: {  	[sflag:s14] =	ssyncset.done $0x0  }
0x60: {  	s15 =	sadd.s32 $0x2848, s8;
	[sflag:s14] =	ssyncadd.s32 $0xFFFFE700  }
0x61: {  	[spmem:s2] =	stream.indirect.scatter.add.f32 [tilespmem:s23], [sflag:$0x3], $0x40, s15, s20, $0xb8;
	[tilespmem:$0x1B7B0] =	vst v63  }
0x62: {  	_ =	swait.ge [sflag:s14], $0x1900  }
0x63: {  	[sflag:s14] =	ssyncset.done $0x0  }
0x64: {  	[sflag:s14] =	ssyncadd.s32 $0xFFFFE700  }
0x65: {  	_ =	swait.ge [sflag:s24], $0x6400  }
0x66: {  	[sflag:s24] =	ssyncset.done $0x0  }
0x67: {  	s15 =	sadd.s32 $0x190, s7;
	[sflag:s24] =	ssyncadd.s32 $0xFFFF9C00  }
0x68: {  	[tilespmem:s16], [sflag:$0x1] =	stream.indirect.gather [hbm4b:s4+s18], $0x40, s15, s18, $0xb8;
	[tilespmem:$0x1B7B0] =	vst v63  }
0x69: {  	s15 =	sadd.s32 $0x28B0, s8  }
0x6a: {  	[spmem:s2] =	stream.indirect.scatter.add.f32 [tilespmem:s19], [sflag:$0x3], $0x40, s15, s20, $0xb8;
	[tilespmem:$0x1B7B0] =	vst v63  }
0x6b: {  	_ =	swait.ge [sflag:s14], $0x1900  }
0x6c: {  	[sflag:s14] =	ssyncset.done $0x0  }
0x6d: {  	s15 =	sadd.s32 $0x2918, s8;
	[sflag:s14] =	ssyncadd.s32 $0xFFFFE700  }
0x6e: {  	[spmem:s2] =	stream.indirect.scatter.add.f32 [tilespmem:s25], [sflag:$0x3], $0x40, s15, s20, $0xb8;
	[tilespmem:$0x1B7B0] =	vst v63  }
0x6f: {  	_ =	swait.ge [sflag:s14], $0x1900  }
0x70: {  	[sflag:s14] =	ssyncset.done $0x0  }
0x71: {  	s15 =	sadd.s32 $0x2980, s8;
	[sflag:s14] =	ssyncadd.s32 $0xFFFFE700  }
0x72: {  	[spmem:s2] =	stream.indirect.scatter.add.f32 [tilespmem:s26], [sflag:$0x3], $0x40, s15, s20, $0xb8;
	[tilespmem:$0x1B7B0] =	vst v63  }
0x73: {  	_ =	swait.ge [sflag:s14], $0x1900  }
.Ltmp0:
0x74: {  	[sflag:s14] =	ssyncset.done $0x0;
	(pc) =	sbr.rel @p0 .LBB2_2-.Ltmp0, $4  }
0x75: {  	s8 =	sadd.s32 $0x29E8, s8;
	[sflag:s14] =	ssyncadd.s32 $0xFFFFE700  }
0x76: {  	[spmem:s2] =	stream.indirect.scatter.add.f32 [tilespmem:s28], [sflag:$0x3], $0x40, s8, s20, $0xb8;
	[tilespmem:$0x1B7B0] =	vst v63  }
0x77: {  	_ =	swait.ge [sflag:s14], $0x1900  }
0x78: {  	[sflag:s14] =	ssyncset.done $0x0  }
0x79: {  	[sflag:s14] =	ssyncadd.s32 $0xFFFFE700  }
0x7a: {  	_ =	swait.ge [sflag:s17], $0x6400  }
0x7b: {  	[sflag:s17] =	ssyncset.done $0x0  }
0x7c: {  	[sflag:s17] =	ssyncadd.s32 $0xFFFF9C00  }
0x7d: {  	[spmem:s2] =	stream.indirect.scatter.add.f32 [tilespmem:s16], [sflag:$0x3], $0x40, s29, s20, $0xb8;
	[tilespmem:$0x1B7B0] =	vst v63  }
0x7e: {  	_ =	swait.ge [sflag:s14], $0x1900  }
0x7f: {  	[sflag:s14] =	ssyncset.done $0x0  }
0x80: {  	[sflag:s14] =	ssyncadd.s32 $0xFFFFE700  }
0x81: {  	[spmem:s2] =	stream.indirect.scatter.add.f32 [tilespmem:s21], [sflag:$0x3], $0x40, s30, s20, $0xb8;
	[tilespmem:$0x1B7B0] =	vst v63  }
0x82: {  	_ =	swait.ge [sflag:s14], $0x1900  }
0x83: {  	[sflag:s14] =	ssyncset.done $0x0  }
0x84: {  	[sflag:s14] =	ssyncadd.s32 $0xFFFFE700  }
0x85: {  	[spmem:s2] =	stream.indirect.scatter.add.f32 [tilespmem:s22], [sflag:$0x3], $0x40, s31, s20, $0xb8;
	[tilespmem:$0x1B7B0] =	vst v63  }
0x86: {  	_ =	swait.ge [sflag:s14], $0x1900  }
0x87: {  	[sflag:s14] =	ssyncset.done $0x0  }
0x88: {  	[sflag:s14] =	ssyncadd.s32 $0xFFFFE700  }
0x89: {  	[spmem:s2] =	stream.indirect.scatter.add.f32 [tilespmem:s23], [sflag:$0x3], $0x40, s1, s20, $0xb8;
	[tilespmem:$0x1B7B0] =	vst v63  }
0x8a: {  	_ =	swait.ge [sflag:s14], $0x1900  }
0x8b: {  	[sflag:s14] =	ssyncset.done $0x0  }
0x8c: {  	s7 =	simm.s32 $0x0;
	[sflag:s14] =	ssyncadd.s32 $0xFFFFE700  }
0x8d: {  	[tilespmem:s7], [sflag:$0x3] =	stream.linear.gather [hbm4b:s9+s7], $0x2710, $0x38;
	[tilespmem:$0x1B7B0] =	vst v63  }
0x8e: {  	_ =	swait.ge [sflag:s14], $0x2710  }
0x8f: {  	[sflag:s14] =	ssyncset.done $0x0  }
0x90: {  	s5 =	simm.s32 $0x2710;
	[sflag:s14] =	ssyncadd.s32 $0xFFFFD8F0  }
0x91: {  	[tilespmem:s5], [sflag:$0x3] =	stream.linear.gather [hbm4b:s10+s7], $0x28A0, $0x38;
	[tilespmem:$0x1B7B0] =	vst v63  }
0x92: {  	_ =	swait.ge [sflag:s14], $0x28A0  }
0x93: {  	[sflag:s14] =	ssyncset.done $0x0  }
0x94: {  	s5 =	simm.s32 $0x190;
	[sflag:s14] =	ssyncadd.s32 $0xFFFFD760  }
0x95: {  	[tilespmem:s16], [sflag:$0x1] =	stream.indirect.gather [hbm4b:s4+s5], $0x40, s7, s5, $0xb8;
	[tilespmem:$0x1B7B0] =	vst v63  }
0x96: {  	_ =	swait.ge [sflag:s17], $0x6400  }
0x97: {  	[sflag:s17] =	ssyncset.done $0x0  }
0x98: {  	[sflag:s17] =	ssyncadd.s32 $0xFFFF9C00  }
0x99: {  	[tilespmem:s19], [sflag:$0x2] =	stream.indirect.gather [hbm4b:s4+s18], $0x40, s5, s18, $0xb8;
	[tilespmem:$0x1B7B0] =	vst v63  }
0x9a: {  	s15 =	simm.s32 $0x2710  }
0x9b: {  	[spmem:s2] =	stream.indirect.scatter.add.f32 [tilespmem:s16], [sflag:$0x3], $0x40, s15, s20, $0xb8;
	[tilespmem:$0x1B7B0] =	vst v63  }
0x9c: {  	_ =	swait.ge [sflag:s14], $0x1900  }
0x9d: {  	[sflag:s14] =	ssyncset.done $0x0  }
0x9e: {  	s8 =	simm.s32 $0x2778;
	[sflag:s14] =	ssyncadd.s32 $0xFFFFE700  }
0x9f: {  	[spmem:s2] =	stream.indirect.scatter.add.f32 [tilespmem:s21], [sflag:$0x3], $0x40, s8, s20, $0xb8;
	[tilespmem:$0x1B7B0] =	vst v63  }
0xa0: {  	_ =	swait.ge [sflag:s14], $0x1900  }
0xa1: {  	[sflag:s14] =	ssyncset.done $0x0  }
0xa2: {  	s15 =	simm.s32 $0x27E0;
	[sflag:s14] =	ssyncadd.s32 $0xFFFFE700  }
0xa3: {  	[spmem:s2] =	stream.indirect.scatter.add.f32 [tilespmem:s22], [sflag:$0x3], $0x40, s15, s20, $0xb8;
	[tilespmem:$0x1B7B0] =	vst v63  }
0xa4: {  	_ =	swait.ge [sflag:s14], $0x1900  }
0xa5: {  	[sflag:s14] =	ssyncset.done $0x0  }
0xa6: {  	s8 =	simm.s32 $0x2848;
	[sflag:s14] =	ssyncadd.s32 $0xFFFFE700  }
0xa7: {  	[spmem:s2] =	stream.indirect.scatter.add.f32 [tilespmem:s23], [sflag:$0x3], $0x40, s8, s20, $0xb8;
	[tilespmem:$0x1B7B0] =	vst v63  }
0xa8: {  	_ =	swait.ge [sflag:s14], $0x1900  }
0xa9: {  	[sflag:s14] =	ssyncset.done $0x0  }
0xaa: {  	[sflag:s14] =	ssyncadd.s32 $0xFFFFE700  }
0xab: {  	_ =	swait.ge [sflag:s24], $0x6400  }
0xac: {  	[sflag:s24] =	ssyncset.done $0x0  }
0xad: {  	s15 =	simm.s32 $0x320;
	[sflag:s24] =	ssyncadd.s32 $0xFFFF9C00  }
0xae: {  	[tilespmem:s16], [sflag:$0x1] =	stream.indirect.gather [hbm4b:s4+s18], $0x40, s15, s18, $0xb8;
	[tilespmem:$0x1B7B0] =	vst v63  }
0xaf: {  	s8 =	simm.s32 $0x28B0  }
0xb0: {  	[spmem:s2] =	stream.indirect.scatter.add.f32 [tilespmem:s19], [sflag:$0x3], $0x40, s8, s20, $0xb8;
	[tilespmem:$0x1B7B0] =	vst v63  }
0xb1: {  	_ =	swait.ge [sflag:s14], $0x1900  }
0xb2: {  	[sflag:s14] =	ssyncset.done $0x0  }
0xb3: {  	s15 =	simm.s32 $0x2918;
	[sflag:s14] =	ssyncadd.s32 $0xFFFFE700  }
0xb4: {  	[spmem:s2] =	stream.indirect.scatter.add.f32 [tilespmem:s25], [sflag:$0x3], $0x40, s15, s20, $0xb8;
	[tilespmem:$0x1B7B0] =	vst v63  }
0xb5: {  	_ =	swait.ge [sflag:s14], $0x1900  }
0xb6: {  	[sflag:s14] =	ssyncset.done $0x0  }
0xb7: {  	s8 =	simm.s32 $0x2980;
	[sflag:s14] =	ssyncadd.s32 $0xFFFFE700  }
0xb8: {  	[spmem:s2] =	stream.indirect.scatter.add.f32 [tilespmem:s26], [sflag:$0x3], $0x40, s8, s20, $0xb8;
	[tilespmem:$0x1B7B0] =	vst v63  }
0xb9: {  	_ =	swait.ge [sflag:s14], $0x1900  }
0xba: {  	[sflag:s14] =	ssyncset.done $0x0  }
0xbb: {  	s15 =	simm.s32 $0x29E8;
	[sflag:s14] =	ssyncadd.s32 $0xFFFFE700  }
0xbc: {  	[spmem:s2] =	stream.indirect.scatter.add.f32 [tilespmem:s28], [sflag:$0x3], $0x40, s15, s20, $0xb8;
	[tilespmem:$0x1B7B0] =	vst v63  }
0xbd: {  	_ =	swait.ge [sflag:s14], $0x1900  }
0xbe: {  	s7 =	simm.s32 $0xD00;
	[sflag:s14] =	ssyncset.done $0x0  }
.LBB2_4:
0xbf: {  	p0 =	sne.s32 s7, $0x8F00;
	[sflag:s14] =	ssyncadd.s32 $0xFFFFE700;
	s5 =	sadd.s32 $0x320, s5  }
0xc0: {  	s8 =	smov.u32 s7;
	s7 =	sadd.s32 $0xD00, s7;
	_ =	swait.ge [sflag:s17], $0x6400  }
0xc1: {  	[sflag:s17] =	ssyncset.done $0x0  }
0xc2: {  	s8 =	sshra.s32 s8, $0x2;
	[sflag:s17] =	ssyncadd.s32 $0xFFFF9C00  }
0xc3: {  	[tilespmem:s19], [sflag:$0x2] =	stream.indirect.gather [hbm4b:s4+s18], $0x40, s5, s18, $0xb8;
	[tilespmem:$0x1B7B0] =	vst v63  }
0xc4: {  	s15 =	sadd.s32 $0x2710, s8  }
0xc5: {  	[spmem:s2] =	stream.indirect.scatter.add.f32 [tilespmem:s16], [sflag:$0x3], $0x40, s15, s20, $0xb8;
	[tilespmem:$0x1B7B0] =	vst v63  }
0xc6: {  	_ =	swait.ge [sflag:s14], $0x1900  }
0xc7: {  	[sflag:s14] =	ssyncset.done $0x0  }
0xc8: {  	s15 =	sadd.s32 $0x2778, s8;
	[sflag:s14] =	ssyncadd.s32 $0xFFFFE700  }
0xc9: {  	[spmem:s2] =	stream.indirect.scatter.add.f32 [tilespmem:s21], [sflag:$0x3], $0x40, s15, s20, $0xb8;
	[tilespmem:$0x1B7B0] =	vst v63  }
0xca: {  	_ =	swait.ge [sflag:s14], $0x1900  }
0xcb: {  	[sflag:s14] =	ssyncset.done $0x0  }
0xcc: {  	s15 =	sadd.s32 $0x27E0, s8;
	[sflag:s14] =	ssyncadd.s32 $0xFFFFE700  }
0xcd: {  	[spmem:s2] =	stream.indirect.scatter.add.f32 [tilespmem:s22], [sflag:$0x3], $0x40, s15, s20, $0xb8;
	[tilespmem:$0x1B7B0] =	vst v63  }
0xce: {  	_ =	swait.ge [sflag:s14], $0x1900  }
0xcf: {  	[sflag:s14] =	ssyncset.done $0x0  }
0xd0: {  	s15 =	sadd.s32 $0x2848, s8;
	[sflag:s14] =	ssyncadd.s32 $0xFFFFE700  }
0xd1: {  	[spmem:s2] =	stream.indirect.scatter.add.f32 [tilespmem:s23], [sflag:$0x3], $0x40, s15, s20, $0xb8;
	[tilespmem:$0x1B7B0] =	vst v63  }
0xd2: {  	_ =	swait.ge [sflag:s14], $0x1900  }
0xd3: {  	[sflag:s14] =	ssyncset.done $0x0  }
0xd4: {  	[sflag:s14] =	ssyncadd.s32 $0xFFFFE700  }
0xd5: {  	_ =	swait.ge [sflag:s24], $0x6400  }
0xd6: {  	[sflag:s24] =	ssyncset.done $0x0  }
0xd7: {  	s15 =	sadd.s32 $0x190, s5;
	[sflag:s24] =	ssyncadd.s32 $0xFFFF9C00  }
0xd8: {  	[tilespmem:s16], [sflag:$0x1] =	stream.indirect.gather [hbm4b:s4+s18], $0x40, s15, s18, $0xb8;
	[tilespmem:$0x1B7B0] =	vst v63  }
0xd9: {  	s15 =	sadd.s32 $0x28B0, s8  }
0xda: {  	[spmem:s2] =	stream.indirect.scatter.add.f32 [tilespmem:s19], [sflag:$0x3], $0x40, s15, s20, $0xb8;
	[tilespmem:$0x1B7B0] =	vst v63  }
0xdb: {  	_ =	swait.ge [sflag:s14], $0x1900  }
0xdc: {  	[sflag:s14] =	ssyncset.done $0x0  }
0xdd: {  	s15 =	sadd.s32 $0x2918, s8;
	[sflag:s14] =	ssyncadd.s32 $0xFFFFE700  }
0xde: {  	[spmem:s2] =	stream.indirect.scatter.add.f32 [tilespmem:s25], [sflag:$0x3], $0x40, s15, s20, $0xb8;
	[tilespmem:$0x1B7B0] =	vst v63  }
0xdf: {  	_ =	swait.ge [sflag:s14], $0x1900  }
0xe0: {  	[sflag:s14] =	ssyncset.done $0x0  }
0xe1: {  	s15 =	sadd.s32 $0x2980, s8;
	[sflag:s14] =	ssyncadd.s32 $0xFFFFE700  }
0xe2: {  	[spmem:s2] =	stream.indirect.scatter.add.f32 [tilespmem:s26], [sflag:$0x3], $0x40, s15, s20, $0xb8;
	[tilespmem:$0x1B7B0] =	vst v63  }
0xe3: {  	_ =	swait.ge [sflag:s14], $0x1900  }
.Ltmp1:
0xe4: {  	[sflag:s14] =	ssyncset.done $0x0;
	(pc) =	sbr.rel @p0 .LBB2_4-.Ltmp1, $4  }
0xe5: {  	s8 =	sadd.s32 $0x29E8, s8;
	[sflag:s14] =	ssyncadd.s32 $0xFFFFE700  }
0xe6: {  	[spmem:s2] =	stream.indirect.scatter.add.f32 [tilespmem:s28], [sflag:$0x3], $0x40, s8, s20, $0xb8;
	[tilespmem:$0x1B7B0] =	vst v63  }
0xe7: {  	_ =	swait.ge [sflag:s14], $0x1900  }
0xe8: {  	[sflag:s14] =	ssyncset.done $0x0  }
0xe9: {  	[sflag:s14] =	ssyncadd.s32 $0xFFFFE700  }
0xea: {  	_ =	swait.ge [sflag:s17], $0x6400  }
0xeb: {  	[sflag:s17] =	ssyncset.done $0x0  }
0xec: {  	[sflag:s17] =	ssyncadd.s32 $0xFFFF9C00  }
0xed: {  	[spmem:s2] =	stream.indirect.scatter.add.f32 [tilespmem:s16], [sflag:$0x3], $0x40, s29, s20, $0xb8;
	[tilespmem:$0x1B7B0] =	vst v63  }
0xee: {  	_ =	swait.ge [sflag:s14], $0x1900  }
0xef: {  	[sflag:s14] =	ssyncset.done $0x0  }
0xf0: {  	[sflag:s14] =	ssyncadd.s32 $0xFFFFE700  }
0xf1: {  	[spmem:s2] =	stream.indirect.scatter.add.f32 [tilespmem:s21], [sflag:$0x3], $0x40, s30, s20, $0xb8;
	[tilespmem:$0x1B7B0] =	vst v63  }
0xf2: {  	_ =	swait.ge [sflag:s14], $0x1900  }
0xf3: {  	[sflag:s14] =	ssyncset.done $0x0  }
0xf4: {  	[sflag:s14] =	ssyncadd.s32 $0xFFFFE700  }
0xf5: {  	[spmem:s2] =	stream.indirect.scatter.add.f32 [tilespmem:s22], [sflag:$0x3], $0x40, s31, s20, $0xb8;
	[tilespmem:$0x1B7B0] =	vst v63  }
0xf6: {  	_ =	swait.ge [sflag:s14], $0x1900  }
0xf7: {  	[sflag:s14] =	ssyncset.done $0x0  }
0xf8: {  	[sflag:s14] =	ssyncadd.s32 $0xFFFFE700  }
0xf9: {  	[spmem:s2] =	stream.indirect.scatter.add.f32 [tilespmem:s23], [sflag:$0x3], $0x40, s1, s20, $0xb8;
	[tilespmem:$0x1B7B0] =	vst v63  }
0xfa: {  	_ =	swait.ge [sflag:s14], $0x1900  }
0xfb: {  	s0 =	sadd.s32 $0x1, s0;
	[sflag:s14] =	ssyncset.done $0x0  }
0xfc: {  	p0 =	sne.s32 s0, s12;
	[sflag:s14] =	ssyncadd.s32 $0xFFFFE700  }
.Ltmp2:
0xfd: {  	[bflag:$0x0] =	sbarrier.arrive $0xFFFF;
	(pc) =	sbr.rel @p0 .LBB2_1-.Ltmp2, $4  }
0xfe: {  	[hbm:s11], [sflag:s6] =	dma.local [spmem:s13], $0x1400  }
0xff: {  	_ =	swait.ge [sflag:s14], $0x1400  }
0x100: {  	[sflag:s14] =	ssyncset.done $0x0  }
0x101: {  	[sflag:s14] =	ssyncadd.s32 $0xFFFFEC00  }
0x102: {  	_ =	sfence.sel $0x180000  }
0x103: {  	[bflag:$0x0] =	sbarrier.arrive $0xFFFF  }
0x104: {  	_ =	strace $0x90000047  }
0x105: {  	s0 =	stileid.u32;
	[bflag:$0x2] =	sbarrier.arrive $0xFFFF  }
0x106: {  	p0 =	sne.s32 s0, $0x0;
	s0 =	rddreg [dreg:$0x3]  }
0x107: {  	s0 =	sadd.s32 @!p0 $0x100000, s0  }
0x108: {  	[sflag:s0] =	ssyncadd.tile.s32 @!p0 $0x1;
	_ =	shalt  }
.Lfunc_end2:
_tile_overlayer_lowered:
.L_overlay_start_2:
0x109: {  	(tag) =	ssettag $0x2  }
0x10a: {  	s0 =	rddreg [dreg:$0x0];
	s2 =	stileid.u32  }
0x10b: {  	s1 =	rddreg [dreg:$0x1];
	p0 =	sne.s32 s2, $0x0  }
0x10c: {  	s3 =	rddreg [dreg:$0x2];
	[bflag:$0x3] =	sbarrier.arrive $0xFFFF;
	s2 =	simm.s32 @!p0 $0x1C03  }
0x10d: {  	[timem:s3], [sflag:s2] =	dma.local @!p0 [hbm:s0], s1  }
0x10e: {  	s0 =	simm.s32 @!p0 $0x3  }
0x10f: {  	_ =	swait.ge @!p0 [sflag:s0], s1  }
0x110: {  	s1 =	ssub.s32 @!p0 $0x0, s1;
	[sflag:s0] =	ssyncset.done @!p0 $0x0  }
0x111: {  	[sflag:s0] =	ssyncadd.s32 @!p0 s1  }
0x112: {  	[bflag:$0x3] =	sbarrier.arrive $0xFFFF  }
0x113: {  	_ =	shalt  }

</sc_bundles>
